<compile_context>
chip_gen: v7x
topology: tpu7x:2x2x1
jax: 0.10.2.dev20260603
libtpu: 0.0.44.dev20260713+nightly
codegen_flags: <defaults>
</compile_context>

<pallas_src>
import functools

import jax
import jax.numpy as jnp
from jax import lax
from jax.experimental import pallas as pl
from jax.experimental.pallas import tpu as pltpu
from jax.experimental.pallas import tpu_sc as plsc

_BATCH = 16384
_N_FIELDS = 26
_NC = 2
_NS = 16
_NW = _NC * _NS
_B_PER_W = _BATCH // _NW
_IDX_PER_W = _B_PER_W * _N_FIELDS
_LANES = 16


_N_CHUNKS = 2
_B_PER_CH = _B_PER_W // _N_CHUNKS
_IDX_PER_CH = _B_PER_CH * _N_FIELDS


def _fm_linear_body(xt_hbm, w_hbm, b_hbm, out_hbm, idx_a, idx_b, rows_a,
                    rows_b, out_v, bias_v, sem_a, sem_b, gsem_a, gsem_b):
    wid = lax.axis_index("s") * _NC + lax.axis_index("c")
    base = wid * _B_PER_W

    def stage(chunk, idx_v, sem):
        return [
            pltpu.async_copy(
                xt_hbm.at[pl.ds(f * _BATCH + base + chunk * _B_PER_CH,
                                _B_PER_CH)],
                idx_v.at[pl.ds(f * _B_PER_CH, _B_PER_CH)], sem)
            for f in range(_N_FIELDS)
        ]

    def reduce_chunk(chunk, rows_v, bias_vec):
        def step(blk, carry):
            acc = bias_vec
            pos = blk * _LANES
            for f in range(_N_FIELDS):
                acc = acc + rows_v[pl.ds(f * _B_PER_CH + pos, _LANES)]
            out_v[pl.ds(chunk * _B_PER_CH + pos, _LANES)] = acc
            return carry

        lax.fori_loop(0, _B_PER_CH // _LANES, step, 0)

    cps0 = stage(0, idx_a, sem_a)
    pltpu.sync_copy(b_hbm, bias_v)
    for c in cps0:
        c.wait()
    g0 = pltpu.async_copy(w_hbm.at[idx_a], rows_a, gsem_a)
    cps1 = stage(1, idx_b, sem_b)
    g0.wait()
    for c in cps1:
        c.wait()
    g1 = pltpu.async_copy(w_hbm.at[idx_b], rows_b, gsem_b)
    bias_vec = bias_v[...]
    reduce_chunk(0, rows_a, bias_vec)
    g1.wait()
    reduce_chunk(1, rows_b, bias_vec)

    pltpu.sync_copy(out_v, out_hbm.at[pl.ds(base, _B_PER_W)])


_fm_linear = functools.partial(
    pl.kernel,
    mesh=plsc.VectorSubcoreMesh(core_axis_name="c", subcore_axis_name="s"),
    out_type=jax.ShapeDtypeStruct((_BATCH,), jnp.float32),
    scratch_types=[
        pltpu.VMEM((_IDX_PER_CH,), jnp.int32),
        pltpu.VMEM((_IDX_PER_CH,), jnp.int32),
        pltpu.VMEM((_IDX_PER_CH,), jnp.float32),
        pltpu.VMEM((_IDX_PER_CH,), jnp.float32),
        pltpu.VMEM((_B_PER_W,), jnp.float32),
        pltpu.VMEM((_LANES,), jnp.float32),
        pltpu.SemaphoreType.DMA,
        pltpu.SemaphoreType.DMA,
        pltpu.SemaphoreType.DMA,
        pltpu.SemaphoreType.DMA,
    ],
    compiler_params=pltpu.CompilerParams(needs_layout_passes=False),
)(_fm_linear_body)


def kernel(x, fc_weight, bias):
    xt_flat = jnp.swapaxes(x, 0, 1).reshape(-1).astype(jnp.int32)
    w_flat = jnp.pad(fc_weight, ((0, 384), (0, 0))).reshape(-1)
    bias16 = jnp.broadcast_to(bias.astype(jnp.float32), (_LANES,))
    out = _fm_linear(xt_flat, w_flat, bias16)
    return out.reshape(_BATCH, 1)

# --- scband reference (transcript-rebuilt; emitter-appended) ---
"""Pipeline reference for scband-features-linear-23510650978335 (READ-ONLY COPY).

The authoritative reference and input builder live on the scoring server;
editing this copy changes nothing except your own understanding.
"""

import jax, jax.numpy as jnp
import numpy as np

TOTAL_VOCAB = 1040000
BATCH = 16384
N_FIELDS = 26

def setup_inputs(seed: int = 0) -> dict:
    key = jax.random.key(seed)
    k1, k2 = jax.random.split(key)
    x = jax.random.randint(k1, (BATCH, N_FIELDS), 0, TOTAL_VOCAB, dtype=jnp.int64 if jax.config.jax_enable_x64 else jnp.int32)
    fc_weight = jax.random.normal(k2, (TOTAL_VOCAB, 1), dtype=jnp.float32) * 0.01
    bias = jnp.zeros((1,), dtype=jnp.float32)
    return {"x": x, "fc_weight": fc_weight, "bias": bias}

def reference(x, fc_weight, bias):
    # y = sum_i w_{x_i} + b  (first-order FM linear term)
    emb = jnp.take(fc_weight, x, axis=0)   # [B, F, 1] gather (SparseCore embedding lookup)
    return emb.sum(axis=1) + bias          # [B, 1]

if __name__ == "__main__":
    import jax
    _d = setup_inputs()
    print(jax.jit(kernel)(*tuple(_d.values())))

</pallas_src>

<mosaic_0001>
#map = affine_map<(d0, d1) -> (0)>
module attributes {stable_mosaic.version = 14 : i64} {
  func.func @_fm_linear_body(%arg0: i32, %arg1: i32, %arg2: memref<425984xi32, #tpu.memory_space<hbm>>, %arg3: memref<1040384xf32, #tpu.memory_space<hbm>>, %arg4: memref<16xf32, #tpu.memory_space<hbm>>, %arg5: memref<16384xf32, #tpu.memory_space<hbm>>, %arg6: memref<6656xi32, #tpu.memory_space<vmem>>, %arg7: memref<6656xi32, #tpu.memory_space<vmem>>, %arg8: memref<6656xf32, #tpu.memory_space<vmem>>, %arg9: memref<6656xf32, #tpu.memory_space<vmem>>, %arg10: memref<512xf32, #tpu.memory_space<vmem>>, %arg11: memref<16xf32, #tpu.memory_space<vmem>>, %arg12: memref<!tpu.dma_semaphore, #tpu.memory_space<semaphore_mem>>, %arg13: memref<!tpu.dma_semaphore, #tpu.memory_space<semaphore_mem>>, %arg14: memref<!tpu.dma_semaphore, #tpu.memory_space<semaphore_mem>>, %arg15: memref<!tpu.dma_semaphore, #tpu.memory_space<semaphore_mem>>) attributes {dimension_semantics = [#tpu.dimension_semantics<core_parallel>, #tpu.dimension_semantics<subcore_parallel>], iteration_bounds = array<i64: 2, 16>, scalar_prefetch = 0 : i64, scratch_operands = 10 : i64, tpu.core_type = #tpu.core_type<sc_vector_subcore>, window_params = [{transform_indices = #map}, {transform_indices = #map}, {transform_indices = #map}, {transform_indices = #map}]} {
    %mul3A = arith.constant 2 : i32
    %mul3A_0 = arith.muli %arg1, %mul3A : i32
    %add3A = arith.addi %mul3A_0, %arg0 : i32
    %mul3A_1 = arith.constant 512 : i32
    %mul3A_2 = arith.muli %add3A, %mul3A_1 : i32
    %add3A_3 = arith.constant 0 : i32
    %add3A_4 = arith.addi %add3A_3, %mul3A_2 : i32
    %add3A_5 = arith.constant 0 : i32
    %add3A_6 = arith.addi %add3A_4, %add3A_5 : i32
    %dma_start3A = arith.constant 0 : i32
    %dma_start3A_7 = tpu.memref_slice %arg6[%dma_start3A] : memref<6656xi32, #tpu.memory_space<vmem>> -> memref<256xi32, #tpu.memory_space<vmem>>
    %dma_start3A_8 = tpu.memref_slice %arg2[%add3A_6] : memref<425984xi32, #tpu.memory_space<hbm>> -> memref<256xi32, #tpu.memory_space<hbm>>
    %dma_start3A_9 = arith.constant 0 : i32
    %dma_start3A_10 = tpu.memref_slice %arg6[%dma_start3A_9] : memref<6656xi32, #tpu.memory_space<vmem>> -> memref<256xi32, #tpu.memory_space<vmem>>
    %dma_start3A_11 = tpu.memref_slice %arg2[%add3A_6] : memref<425984xi32, #tpu.memory_space<hbm>> -> memref<256xi32, #tpu.memory_space<hbm>>
    tpu.enqueue_dma source(%dma_start3A_11 : memref<256xi32, #tpu.memory_space<hbm>>) target(%dma_start3A_10 : memref<256xi32, #tpu.memory_space<vmem>>) target_semaphore(%arg12 : memref<!tpu.dma_semaphore, #tpu.memory_space<semaphore_mem>>)
    %add3A_12 = arith.constant 16384 : i32
    %add3A_13 = arith.addi %add3A_12, %mul3A_2 : i32
    %add3A_14 = arith.constant 0 : i32
    %add3A_15 = arith.addi %add3A_13, %add3A_14 : i32
    %dma_start3A_16 = arith.constant 256 : i32
    %dma_start3A_17 = tpu.memref_slice %arg6[%dma_start3A_16] : memref<6656xi32, #tpu.memory_space<vmem>> -> memref<256xi32, #tpu.memory_space<vmem>>
    %dma_start3A_18 = tpu.memref_slice %arg2[%add3A_15] : memref<425984xi32, #tpu.memory_space<hbm>> -> memref<256xi32, #tpu.memory_space<hbm>>
    %dma_start3A_19 = arith.constant 256 : i32
    %dma_start3A_20 = tpu.memref_slice %arg6[%dma_start3A_19] : memref<6656xi32, #tpu.memory_space<vmem>> -> memref<256xi32, #tpu.memory_space<vmem>>
    %dma_start3A_21 = tpu.memref_slice %arg2[%add3A_15] : memref<425984xi32, #tpu.memory_space<hbm>> -> memref<256xi32, #tpu.memory_space<hbm>>
    tpu.enqueue_dma source(%dma_start3A_21 : memref<256xi32, #tpu.memory_space<hbm>>) target(%dma_start3A_20 : memref<256xi32, #tpu.memory_space<vmem>>) target_semaphore(%arg12 : memref<!tpu.dma_semaphore, #tpu.memory_space<semaphore_mem>>)
    %add3A_22 = arith.constant 32768 : i32
    %add3A_23 = arith.addi %add3A_22, %mul3A_2 : i32
    %add3A_24 = arith.constant 0 : i32
    %add3A_25 = arith.addi %add3A_23, %add3A_24 : i32
    %dma_start3A_26 = arith.constant 512 : i32
    %dma_start3A_27 = tpu.memref_slice %arg6[%dma_start3A_26] : memref<6656xi32, #tpu.memory_space<vmem>> -> memref<256xi32, #tpu.memory_space<vmem>>
    %dma_start3A_28 = tpu.memref_slice %arg2[%add3A_25] : memref<425984xi32, #tpu.memory_space<hbm>> -> memref<256xi32, #tpu.memory_space<hbm>>
    %dma_start3A_29 = arith.constant 512 : i32
    %dma_start3A_30 = tpu.memref_slice %arg6[%dma_start3A_29] : memref<6656xi32, #tpu.memory_space<vmem>> -> memref<256xi32, #tpu.memory_space<vmem>>
    %dma_start3A_31 = tpu.memref_slice %arg2[%add3A_25] : memref<425984xi32, #tpu.memory_space<hbm>> -> memref<256xi32, #tpu.memory_space<hbm>>
    tpu.enqueue_dma source(%dma_start3A_31 : memref<256xi32, #tpu.memory_space<hbm>>) target(%dma_start3A_30 : memref<256xi32, #tpu.memory_space<vmem>>) target_semaphore(%arg12 : memref<!tpu.dma_semaphore, #tpu.memory_space<semaphore_mem>>)
    %add3A_32 = arith.constant 49152 : i32
    %add3A_33 = arith.addi %add3A_32, %mul3A_2 : i32
    %add3A_34 = arith.constant 0 : i32
    %add3A_35 = arith.addi %add3A_33, %add3A_34 : i32
    %dma_start3A_36 = arith.constant 768 : i32
    %dma_start3A_37 = tpu.memref_slice %arg6[%dma_start3A_36] : memref<6656xi32, #tpu.memory_space<vmem>> -> memref<256xi32, #tpu.memory_space<vmem>>
    %dma_start3A_38 = tpu.memref_slice %arg2[%add3A_35] : memref<425984xi32, #tpu.memory_space<hbm>> -> memref<256xi32, #tpu.memory_space<hbm>>
    %dma_start3A_39 = arith.constant 768 : i32
    %dma_start3A_40 = tpu.memref_slice %arg6[%dma_start3A_39] : memref<6656xi32, #tpu.memory_space<vmem>> -> memref<256xi32, #tpu.memory_space<vmem>>
    %dma_start3A_41 = tpu.memref_slice %arg2[%add3A_35] : memref<425984xi32, #tpu.memory_space<hbm>> -> memref<256xi32, #tpu.memory_space<hbm>>
    tpu.enqueue_dma source(%dma_start3A_41 : memref<256xi32, #tpu.memory_space<hbm>>) target(%dma_start3A_40 : memref<256xi32, #tpu.memory_space<vmem>>) target_semaphore(%arg12 : memref<!tpu.dma_semaphore, #tpu.memory_space<semaphore_mem>>)
    %add3A_42 = arith.constant 65536 : i32
    %add3A_43 = arith.addi %add3A_42, %mul3A_2 : i32
    %add3A_44 = arith.constant 0 : i32
    %add3A_45 = arith.addi %add3A_43, %add3A_44 : i32
    %dma_start3A_46 = arith.constant 1024 : i32
    %dma_start3A_47 = tpu.memref_slice %arg6[%dma_start3A_46] : memref<6656xi32, #tpu.memory_space<vmem>> -> memref<256xi32, #tpu.memory_space<vmem>>
    %dma_start3A_48 = tpu.memref_slice %arg2[%add3A_45] : memref<425984xi32, #tpu.memory_space<hbm>> -> memref<256xi32, #tpu.memory_space<hbm>>
    %dma_start3A_49 = arith.constant 1024 : i32
    %dma_start3A_50 = tpu.memref_slice %arg6[%dma_start3A_49] : memref<6656xi32, #tpu.memory_space<vmem>> -> memref<256xi32, #tpu.memory_space<vmem>>
    %dma_start3A_51 = tpu.memref_slice %arg2[%add3A_45] : memref<425984xi32, #tpu.memory_space<hbm>> -> memref<256xi32, #tpu.memory_space<hbm>>
    tpu.enqueue_dma source(%dma_start3A_51 : memref<256xi32, #tpu.memory_space<hbm>>) target(%dma_start3A_50 : memref<256xi32, #tpu.memory_space<vmem>>) target_semaphore(%arg12 : memref<!tpu.dma_semaphore, #tpu.memory_space<semaphore_mem>>)
    %add3A_52 = arith.constant 81920 : i32
    %add3A_53 = arith.addi %add3A_52, %mul3A_2 : i32
    %add3A_54 = arith.constant 0 : i32
    %add3A_55 = arith.addi %add3A_53, %add3A_54 : i32
    %dma_start3A_56 = arith.constant 1280 : i32
    %dma_start3A_57 = tpu.memref_slice %arg6[%dma_start3A_56] : memref<6656xi32, #tpu.memory_space<vmem>> -> memref<256xi32, #tpu.memory_space<vmem>>
    %dma_start3A_58 = tpu.memref_slice %arg2[%add3A_55] : memref<425984xi32, #tpu.memory_space<hbm>> -> memref<256xi32, #tpu.memory_space<hbm>>
    %dma_start3A_59 = arith.constant 1280 : i32
    %dma_start3A_60 = tpu.memref_slice %arg6[%dma_start3A_59] : memref<6656xi32, #tpu.memory_space<vmem>> -> memref<256xi32, #tpu.memory_space<vmem>>
    %dma_start3A_61 = tpu.memref_slice %arg2[%add3A_55] : memref<425984xi32, #tpu.memory_space<hbm>> -> memref<256xi32, #tpu.memory_space<hbm>>
    tpu.enqueue_dma source(%dma_start3A_61 : memref<256xi32, #tpu.memory_space<hbm>>) target(%dma_start3A_60 : memref<256xi32, #tpu.memory_space<vmem>>) target_semaphore(%arg12 : memref<!tpu.dma_semaphore, #tpu.memory_space<semaphore_mem>>)
    %add3A_62 = arith.constant 98304 : i32
    %add3A_63 = arith.addi %add3A_62, %mul3A_2 : i32
    %add3A_64 = arith.constant 0 : i32
    %add3A_65 = arith.addi %add3A_63, %add3A_64 : i32
    %dma_start3A_66 = arith.constant 1536 : i32
    %dma_start3A_67 = tpu.memref_slice %arg6[%dma_start3A_66] : memref<6656xi32, #tpu.memory_space<vmem>> -> memref<256xi32, #tpu.memory_space<vmem>>
    %dma_start3A_68 = tpu.memref_slice %arg2[%add3A_65] : memref<425984xi32, #tpu.memory_space<hbm>> -> memref<256xi32, #tpu.memory_space<hbm>>
    %dma_start3A_69 = arith.constant 1536 : i32
    %dma_start3A_70 = tpu.memref_slice %arg6[%dma_start3A_69] : memref<6656xi32, #tpu.memory_space<vmem>> -> memref<256xi32, #tpu.memory_space<vmem>>
    %dma_start3A_71 = tpu.memref_slice %arg2[%add3A_65] : memref<425984xi32, #tpu.memory_space<hbm>> -> memref<256xi32, #tpu.memory_space<hbm>>
    tpu.enqueue_dma source(%dma_start3A_71 : memref<256xi32, #tpu.memory_space<hbm>>) target(%dma_start3A_70 : memref<256xi32, #tpu.memory_space<vmem>>) target_semaphore(%arg12 : memref<!tpu.dma_semaphore, #tpu.memory_space<semaphore_mem>>)
    %add3A_72 = arith.constant 114688 : i32
    %add3A_73 = arith.addi %add3A_72, %mul3A_2 : i32
    %add3A_74 = arith.constant 0 : i32
    %add3A_75 = arith.addi %add3A_73, %add3A_74 : i32
    %dma_start3A_76 = arith.constant 1792 : i32
    %dma_start3A_77 = tpu.memref_slice %arg6[%dma_start3A_76] : memref<6656xi32, #tpu.memory_space<vmem>> -> memref<256xi32, #tpu.memory_space<vmem>>
    %dma_start3A_78 = tpu.memref_slice %arg2[%add3A_75] : memref<425984xi32, #tpu.memory_space<hbm>> -> memref<256xi32, #tpu.memory_space<hbm>>
    %dma_start3A_79 = arith.constant 1792 : i32
    %dma_start3A_80 = tpu.memref_slice %arg6[%dma_start3A_79] : memref<6656xi32, #tpu.memory_space<vmem>> -> memref<256xi32, #tpu.memory_space<vmem>>
    %dma_start3A_81 = tpu.memref_slice %arg2[%add3A_75] : memref<425984xi32, #tpu.memory_space<hbm>> -> memref<256xi32, #tpu.memory_space<hbm>>
    tpu.enqueue_dma source(%dma_start3A_81 : memref<256xi32, #tpu.memory_space<hbm>>) target(%dma_start3A_80 : memref<256xi32, #tpu.memory_space<vmem>>) target_semaphore(%arg12 : memref<!tpu.dma_semaphore, #tpu.memory_space<semaphore_mem>>)
    %add3A_82 = arith.constant 131072 : i32
    %add3A_83 = arith.addi %add3A_82, %mul3A_2 : i32
    %add3A_84 = arith.constant 0 : i32
    %add3A_85 = arith.addi %add3A_83, %add3A_84 : i32
    %dma_start3A_86 = arith.constant 2048 : i32
    %dma_start3A_87 = tpu.memref_slice %arg6[%dma_start3A_86] : memref<6656xi32, #tpu.memory_space<vmem>> -> memref<256xi32, #tpu.memory_space<vmem>>
    %dma_start3A_88 = tpu.memref_slice %arg2[%add3A_85] : memref<425984xi32, #tpu.memory_space<hbm>> -> memref<256xi32, #tpu.memory_space<hbm>>
    %dma_start3A_89 = arith.constant 2048 : i32
    %dma_start3A_90 = tpu.memref_slice %arg6[%dma_start3A_89] : memref<6656xi32, #tpu.memory_space<vmem>> -> memref<256xi32, #tpu.memory_space<vmem>>
    %dma_start3A_91 = tpu.memref_slice %arg2[%add3A_85] : memref<425984xi32, #tpu.memory_space<hbm>> -> memref<256xi32, #tpu.memory_space<hbm>>
    tpu.enqueue_dma source(%dma_start3A_91 : memref<256xi32, #tpu.memory_space<hbm>>) target(%dma_start3A_90 : memref<256xi32, #tpu.memory_space<vmem>>) target_semaphore(%arg12 : memref<!tpu.dma_semaphore, #tpu.memory_space<semaphore_mem>>)
    %add3A_92 = arith.constant 147456 : i32
    %add3A_93 = arith.addi %add3A_92, %mul3A_2 : i32
    %add3A_94 = arith.constant 0 : i32
    %add3A_95 = arith.addi %add3A_93, %add3A_94 : i32
    %dma_start3A_96 = arith.constant 2304 : i32
    %dma_start3A_97 = tpu.memref_slice %arg6[%dma_start3A_96] : memref<6656xi32, #tpu.memory_space<vmem>> -> memref<256xi32, #tpu.memory_space<vmem>>
    %dma_start3A_98 = tpu.memref_slice %arg2[%add3A_95] : memref<425984xi32, #tpu.memory_space<hbm>> -> memref<256xi32, #tpu.memory_space<hbm>>
    %dma_start3A_99 = arith.constant 2304 : i32
    %dma_start3A_100 = tpu.memref_slice %arg6[%dma_start3A_99] : memref<6656xi32, #tpu.memory_space<vmem>> -> memref<256xi32, #tpu.memory_space<vmem>>
    %dma_start3A_101 = tpu.memref_slice %arg2[%add3A_95] : memref<425984xi32, #tpu.memory_space<hbm>> -> memref<256xi32, #tpu.memory_space<hbm>>
    tpu.enqueue_dma source(%dma_start3A_101 : memref<256xi32, #tpu.memory_space<hbm>>) target(%dma_start3A_100 : memref<256xi32, #tpu.memory_space<vmem>>) target_semaphore(%arg12 : memref<!tpu.dma_semaphore, #tpu.memory_space<semaphore_mem>>)
    %add3A_102 = arith.constant 163840 : i32
    %add3A_103 = arith.addi %add3A_102, %mul3A_2 : i32
    %add3A_104 = arith.constant 0 : i32
    %add3A_105 = arith.addi %add3A_103, %add3A_104 : i32
    %dma_start3A_106 = arith.constant 2560 : i32
    %dma_start3A_107 = tpu.memref_slice %arg6[%dma_start3A_106] : memref<6656xi32, #tpu.memory_space<vmem>> -> memref<256xi32, #tpu.memory_space<vmem>>
    %dma_start3A_108 = tpu.memref_slice %arg2[%add3A_105] : memref<425984xi32, #tpu.memory_space<hbm>> -> memref<256xi32, #tpu.memory_space<hbm>>
    %dma_start3A_109 = arith.constant 2560 : i32
    %dma_start3A_110 = tpu.memref_slice %arg6[%dma_start3A_109] : memref<6656xi32, #tpu.memory_space<vmem>> -> memref<256xi32, #tpu.memory_space<vmem>>
    %dma_start3A_111 = tpu.memref_slice %arg2[%add3A_105] : memref<425984xi32, #tpu.memory_space<hbm>> -> memref<256xi32, #tpu.memory_space<hbm>>
    tpu.enqueue_dma source(%dma_start3A_111 : memref<256xi32, #tpu.memory_space<hbm>>) target(%dma_start3A_110 : memref<256xi32, #tpu.memory_space<vmem>>) target_semaphore(%arg12 : memref<!tpu.dma_semaphore, #tpu.memory_space<semaphore_mem>>)
    %add3A_112 = arith.constant 180224 : i32
    %add3A_113 = arith.addi %add3A_112, %mul3A_2 : i32
    %add3A_114 = arith.constant 0 : i32
    %add3A_115 = arith.addi %add3A_113, %add3A_114 : i32
    %dma_start3A_116 = arith.constant 2816 : i32
    %dma_start3A_117 = tpu.memref_slice %arg6[%dma_start3A_116] : memref<6656xi32, #tpu.memory_space<vmem>> -> memref<256xi32, #tpu.memory_space<vmem>>
    %dma_start3A_118 = tpu.memref_slice %arg2[%add3A_115] : memref<425984xi32, #tpu.memory_space<hbm>> -> memref<256xi32, #tpu.memory_space<hbm>>
    %dma_start3A_119 = arith.constant 2816 : i32
    %dma_start3A_120 = tpu.memref_slice %arg6[%dma_start3A_119] : memref<6656xi32, #tpu.memory_space<vmem>> -> memref<256xi32, #tpu.memory_space<vmem>>
    %dma_start3A_121 = tpu.memref_slice %arg2[%add3A_115] : memref<425984xi32, #tpu.memory_space<hbm>> -> memref<256xi32, #tpu.memory_space<hbm>>
    tpu.enqueue_dma source(%dma_start3A_121 : memref<256xi32, #tpu.memory_space<hbm>>) target(%dma_start3A_120 : memref<256xi32, #tpu.memory_space<vmem>>) target_semaphore(%arg12 : memref<!tpu.dma_semaphore, #tpu.memory_space<semaphore_mem>>)
    %add3A_122 = arith.constant 196608 : i32
    %add3A_123 = arith.addi %add3A_122, %mul3A_2 : i32
    %add3A_124 = arith.constant 0 : i32
    %add3A_125 = arith.addi %add3A_123, %add3A_124 : i32
    %dma_start3A_126 = arith.constant 3072 : i32
    %dma_start3A_127 = tpu.memref_slice %arg6[%dma_start3A_126] : memref<6656xi32, #tpu.memory_space<vmem>> -> memref<256xi32, #tpu.memory_space<vmem>>
    %dma_start3A_128 = tpu.memref_slice %arg2[%add3A_125] : memref<425984xi32, #tpu.memory_space<hbm>> -> memref<256xi32, #tpu.memory_space<hbm>>
    %dma_start3A_129 = arith.constant 3072 : i32
    %dma_start3A_130 = tpu.memref_slice %arg6[%dma_start3A_129] : memref<6656xi32, #tpu.memory_space<vmem>> -> memref<256xi32, #tpu.memory_space<vmem>>
    %dma_start3A_131 = tpu.memref_slice %arg2[%add3A_125] : memref<425984xi32, #tpu.memory_space<hbm>> -> memref<256xi32, #tpu.memory_space<hbm>>
    tpu.enqueue_dma source(%dma_start3A_131 : memref<256xi32, #tpu.memory_space<hbm>>) target(%dma_start3A_130 : memref<256xi32, #tpu.memory_space<vmem>>) target_semaphore(%arg12 : memref<!tpu.dma_semaphore, #tpu.memory_space<semaphore_mem>>)
    %add3A_132 = arith.constant 212992 : i32
    %add3A_133 = arith.addi %add3A_132, %mul3A_2 : i32
    %add3A_134 = arith.constant 0 : i32
    %add3A_135 = arith.addi %add3A_133, %add3A_134 : i32
    %dma_start3A_136 = arith.constant 3328 : i32
    %dma_start3A_137 = tpu.memref_slice %arg6[%dma_start3A_136] : memref<6656xi32, #tpu.memory_space<vmem>> -> memref<256xi32, #tpu.memory_space<vmem>>
    %dma_start3A_138 = tpu.memref_slice %arg2[%add3A_135] : memref<425984xi32, #tpu.memory_space<hbm>> -> memref<256xi32, #tpu.memory_space<hbm>>
    %dma_start3A_139 = arith.constant 3328 : i32
    %dma_start3A_140 = tpu.memref_slice %arg6[%dma_start3A_139] : memref<6656xi32, #tpu.memory_space<vmem>> -> memref<256xi32, #tpu.memory_space<vmem>>
    %dma_start3A_141 = tpu.memref_slice %arg2[%add3A_135] : memref<425984xi32, #tpu.memory_space<hbm>> -> memref<256xi32, #tpu.memory_space<hbm>>
    tpu.enqueue_dma source(%dma_start3A_141 : memref<256xi32, #tpu.memory_space<hbm>>) target(%dma_start3A_140 : memref<256xi32, #tpu.memory_space<vmem>>) target_semaphore(%arg12 : memref<!tpu.dma_semaphore, #tpu.memory_space<semaphore_mem>>)
    %add3A_142 = arith.constant 229376 : i32
    %add3A_143 = arith.addi %add3A_142, %mul3A_2 : i32
    %add3A_144 = arith.constant 0 : i32
    %add3A_145 = arith.addi %add3A_143, %add3A_144 : i32
    %dma_start3A_146 = arith.constant 3584 : i32
    %dma_start3A_147 = tpu.memref_slice %arg6[%dma_start3A_146] : memref<6656xi32, #tpu.memory_space<vmem>> -> memref<256xi32, #tpu.memory_space<vmem>>
    %dma_start3A_148 = tpu.memref_slice %arg2[%add3A_145] : memref<425984xi32, #tpu.memory_space<hbm>> -> memref<256xi32, #tpu.memory_space<hbm>>
    %dma_start3A_149 = arith.constant 3584 : i32
    %dma_start3A_150 = tpu.memref_slice %arg6[%dma_start3A_149] : memref<6656xi32, #tpu.memory_space<vmem>> -> memref<256xi32, #tpu.memory_space<vmem>>
    %dma_start3A_151 = tpu.memref_slice %arg2[%add3A_145] : memref<425984xi32, #tpu.memory_space<hbm>> -> memref<256xi32, #tpu.memory_space<hbm>>
    tpu.enqueue_dma source(%dma_start3A_151 : memref<256xi32, #tpu.memory_space<hbm>>) target(%dma_start3A_150 : memref<256xi32, #tpu.memory_space<vmem>>) target_semaphore(%arg12 : memref<!tpu.dma_semaphore, #tpu.memory_space<semaphore_mem>>)
    %add3A_152 = arith.constant 245760 : i32
    %add3A_153 = arith.addi %add3A_152, %mul3A_2 : i32
    %add3A_154 = arith.constant 0 : i32
    %add3A_155 = arith.addi %add3A_153, %add3A_154 : i32
    %dma_start3A_156 = arith.constant 3840 : i32
    %dma_start3A_157 = tpu.memref_slice %arg6[%dma_start3A_156] : memref<6656xi32, #tpu.memory_space<vmem>> -> memref<256xi32, #tpu.memory_space<vmem>>
    %dma_start3A_158 = tpu.memref_slice %arg2[%add3A_155] : memref<425984xi32, #tpu.memory_space<hbm>> -> memref<256xi32, #tpu.memory_space<hbm>>
    %dma_start3A_159 = arith.constant 3840 : i32
    %dma_start3A_160 = tpu.memref_slice %arg6[%dma_start3A_159] : memref<6656xi32, #tpu.memory_space<vmem>> -> memref<256xi32, #tpu.memory_space<vmem>>
    %dma_start3A_161 = tpu.memref_slice %arg2[%add3A_155] : memref<425984xi32, #tpu.memory_space<hbm>> -> memref<256xi32, #tpu.memory_space<hbm>>
    tpu.enqueue_dma source(%dma_start3A_161 : memref<256xi32, #tpu.memory_space<hbm>>) target(%dma_start3A_160 : memref<256xi32, #tpu.memory_space<vmem>>) target_semaphore(%arg12 : memref<!tpu.dma_semaphore, #tpu.memory_space<semaphore_mem>>)
    %add3A_162 = arith.constant 262144 : i32
    %add3A_163 = arith.addi %add3A_162, %mul3A_2 : i32
    %add3A_164 = arith.constant 0 : i32
    %add3A_165 = arith.addi %add3A_163, %add3A_164 : i32
    %dma_start3A_166 = arith.constant 4096 : i32
    %dma_start3A_167 = tpu.memref_slice %arg6[%dma_start3A_166] : memref<6656xi32, #tpu.memory_space<vmem>> -> memref<256xi32, #tpu.memory_space<vmem>>
    %dma_start3A_168 = tpu.memref_slice %arg2[%add3A_165] : memref<425984xi32, #tpu.memory_space<hbm>> -> memref<256xi32, #tpu.memory_space<hbm>>
    %dma_start3A_169 = arith.constant 4096 : i32
    %dma_start3A_170 = tpu.memref_slice %arg6[%dma_start3A_169] : memref<6656xi32, #tpu.memory_space<vmem>> -> memref<256xi32, #tpu.memory_space<vmem>>
    %dma_start3A_171 = tpu.memref_slice %arg2[%add3A_165] : memref<425984xi32, #tpu.memory_space<hbm>> -> memref<256xi32, #tpu.memory_space<hbm>>
    tpu.enqueue_dma source(%dma_start3A_171 : memref<256xi32, #tpu.memory_space<hbm>>) target(%dma_start3A_170 : memref<256xi32, #tpu.memory_space<vmem>>) target_semaphore(%arg12 : memref<!tpu.dma_semaphore, #tpu.memory_space<semaphore_mem>>)
    %add3A_172 = arith.constant 278528 : i32
    %add3A_173 = arith.addi %add3A_172, %mul3A_2 : i32
    %add3A_174 = arith.constant 0 : i32
    %add3A_175 = arith.addi %add3A_173, %add3A_174 : i32
    %dma_start3A_176 = arith.constant 4352 : i32
    %dma_start3A_177 = tpu.memref_slice %arg6[%dma_start3A_176] : memref<6656xi32, #tpu.memory_space<vmem>> -> memref<256xi32, #tpu.memory_space<vmem>>
    %dma_start3A_178 = tpu.memref_slice %arg2[%add3A_175] : memref<425984xi32, #tpu.memory_space<hbm>> -> memref<256xi32, #tpu.memory_space<hbm>>
    %dma_start3A_179 = arith.constant 4352 : i32
    %dma_start3A_180 = tpu.memref_slice %arg6[%dma_start3A_179] : memref<6656xi32, #tpu.memory_space<vmem>> -> memref<256xi32, #tpu.memory_space<vmem>>
    %dma_start3A_181 = tpu.memref_slice %arg2[%add3A_175] : memref<425984xi32, #tpu.memory_space<hbm>> -> memref<256xi32, #tpu.memory_space<hbm>>
    tpu.enqueue_dma source(%dma_start3A_181 : memref<256xi32, #tpu.memory_space<hbm>>) target(%dma_start3A_180 : memref<256xi32, #tpu.memory_space<vmem>>) target_semaphore(%arg12 : memref<!tpu.dma_semaphore, #tpu.memory_space<semaphore_mem>>)
    %add3A_182 = arith.constant 294912 : i32
    %add3A_183 = arith.addi %add3A_182, %mul3A_2 : i32
    %add3A_184 = arith.constant 0 : i32
    %add3A_185 = arith.addi %add3A_183, %add3A_184 : i32
    %dma_start3A_186 = arith.constant 4608 : i32
    %dma_start3A_187 = tpu.memref_slice %arg6[%dma_start3A_186] : memref<6656xi32, #tpu.memory_space<vmem>> -> memref<256xi32, #tpu.memory_space<vmem>>
    %dma_start3A_188 = tpu.memref_slice %arg2[%add3A_185] : memref<425984xi32, #tpu.memory_space<hbm>> -> memref<256xi32, #tpu.memory_space<hbm>>
    %dma_start3A_189 = arith.constant 4608 : i32
    %dma_start3A_190 = tpu.memref_slice %arg6[%dma_start3A_189] : memref<6656xi32, #tpu.memory_space<vmem>> -> memref<256xi32, #tpu.memory_space<vmem>>
    %dma_start3A_191 = tpu.memref_slice %arg2[%add3A_185] : memref<425984xi32, #tpu.memory_space<hbm>> -> memref<256xi32, #tpu.memory_space<hbm>>
    tpu.enqueue_dma source(%dma_start3A_191 : memref<256xi32, #tpu.memory_space<hbm>>) target(%dma_start3A_190 : memref<256xi32, #tpu.memory_space<vmem>>) target_semaphore(%arg12 : memref<!tpu.dma_semaphore, #tpu.memory_space<semaphore_mem>>)
    %add3A_192 = arith.constant 311296 : i32
    %add3A_193 = arith.addi %add3A_192, %mul3A_2 : i32
    %add3A_194 = arith.constant 0 : i32
    %add3A_195 = arith.addi %add3A_193, %add3A_194 : i32
    %dma_start3A_196 = arith.constant 4864 : i32
    %dma_start3A_197 = tpu.memref_slice %arg6[%dma_start3A_196] : memref<6656xi32, #tpu.memory_space<vmem>> -> memref<256xi32, #tpu.memory_space<vmem>>
    %dma_start3A_198 = tpu.memref_slice %arg2[%add3A_195] : memref<425984xi32, #tpu.memory_space<hbm>> -> memref<256xi32, #tpu.memory_space<hbm>>
    %dma_start3A_199 = arith.constant 4864 : i32
    %dma_start3A_200 = tpu.memref_slice %arg6[%dma_start3A_199] : memref<6656xi32, #tpu.memory_space<vmem>> -> memref<256xi32, #tpu.memory_space<vmem>>
    %dma_start3A_201 = tpu.memref_slice %arg2[%add3A_195] : memref<425984xi32, #tpu.memory_space<hbm>> -> memref<256xi32, #tpu.memory_space<hbm>>
    tpu.enqueue_dma source(%dma_start3A_201 : memref<256xi32, #tpu.memory_space<hbm>>) target(%dma_start3A_200 : memref<256xi32, #tpu.memory_space<vmem>>) target_semaphore(%arg12 : memref<!tpu.dma_semaphore, #tpu.memory_space<semaphore_mem>>)
    %add3A_202 = arith.constant 327680 : i32
    %add3A_203 = arith.addi %add3A_202, %mul3A_2 : i32
    %add3A_204 = arith.constant 0 : i32
    %add3A_205 = arith.addi %add3A_203, %add3A_204 : i32
    %dma_start3A_206 = arith.constant 5120 : i32
    %dma_start3A_207 = tpu.memref_slice %arg6[%dma_start3A_206] : memref<6656xi32, #tpu.memory_space<vmem>> -> memref<256xi32, #tpu.memory_space<vmem>>
    %dma_start3A_208 = tpu.memref_slice %arg2[%add3A_205] : memref<425984xi32, #tpu.memory_space<hbm>> -> memref<256xi32, #tpu.memory_space<hbm>>
    %dma_start3A_209 = arith.constant 5120 : i32
    %dma_start3A_210 = tpu.memref_slice %arg6[%dma_start3A_209] : memref<6656xi32, #tpu.memory_space<vmem>> -> memref<256xi32, #tpu.memory_space<vmem>>
    %dma_start3A_211 = tpu.memref_slice %arg2[%add3A_205] : memref<425984xi32, #tpu.memory_space<hbm>> -> memref<256xi32, #tpu.memory_space<hbm>>
    tpu.enqueue_dma source(%dma_start3A_211 : memref<256xi32, #tpu.memory_space<hbm>>) target(%dma_start3A_210 : memref<256xi32, #tpu.memory_space<vmem>>) target_semaphore(%arg12 : memref<!tpu.dma_semaphore, #tpu.memory_space<semaphore_mem>>)
    %add3A_212 = arith.constant 344064 : i32
    %add3A_213 = arith.addi %add3A_212, %mul3A_2 : i32
    %add3A_214 = arith.constant 0 : i32
    %add3A_215 = arith.addi %add3A_213, %add3A_214 : i32
    %dma_start3A_216 = arith.constant 5376 : i32
    %dma_start3A_217 = tpu.memref_slice %arg6[%dma_start3A_216] : memref<6656xi32, #tpu.memory_space<vmem>> -> memref<256xi32, #tpu.memory_space<vmem>>
    %dma_start3A_218 = tpu.memref_slice %arg2[%add3A_215] : memref<425984xi32, #tpu.memory_space<hbm>> -> memref<256xi32, #tpu.memory_space<hbm>>
    %dma_start3A_219 = arith.constant 5376 : i32
    %dma_start3A_220 = tpu.memref_slice %arg6[%dma_start3A_219] : memref<6656xi32, #tpu.memory_space<vmem>> -> memref<256xi32, #tpu.memory_space<vmem>>
    %dma_start3A_221 = tpu.memref_slice %arg2[%add3A_215] : memref<425984xi32, #tpu.memory_space<hbm>> -> memref<256xi32, #tpu.memory_space<hbm>>
    tpu.enqueue_dma source(%dma_start3A_221 : memref<256xi32, #tpu.memory_space<hbm>>) target(%dma_start3A_220 : memref<256xi32, #tpu.memory_space<vmem>>) target_semaphore(%arg12 : memref<!tpu.dma_semaphore, #tpu.memory_space<semaphore_mem>>)
    %add3A_222 = arith.constant 360448 : i32
    %add3A_223 = arith.addi %add3A_222, %mul3A_2 : i32
    %add3A_224 = arith.constant 0 : i32
    %add3A_225 = arith.addi %add3A_223, %add3A_224 : i32
    %dma_start3A_226 = arith.constant 5632 : i32
    %dma_start3A_227 = tpu.memref_slice %arg6[%dma_start3A_226] : memref<6656xi32, #tpu.memory_space<vmem>> -> memref<256xi32, #tpu.memory_space<vmem>>
    %dma_start3A_228 = tpu.memref_slice %arg2[%add3A_225] : memref<425984xi32, #tpu.memory_space<hbm>> -> memref<256xi32, #tpu.memory_space<hbm>>
    %dma_start3A_229 = arith.constant 5632 : i32
    %dma_start3A_230 = tpu.memref_slice %arg6[%dma_start3A_229] : memref<6656xi32, #tpu.memory_space<vmem>> -> memref<256xi32, #tpu.memory_space<vmem>>
    %dma_start3A_231 = tpu.memref_slice %arg2[%add3A_225] : memref<425984xi32, #tpu.memory_space<hbm>> -> memref<256xi32, #tpu.memory_space<hbm>>
    tpu.enqueue_dma source(%dma_start3A_231 : memref<256xi32, #tpu.memory_space<hbm>>) target(%dma_start3A_230 : memref<256xi32, #tpu.memory_space<vmem>>) target_semaphore(%arg12 : memref<!tpu.dma_semaphore, #tpu.memory_space<semaphore_mem>>)
    %add3A_232 = arith.constant 376832 : i32
    %add3A_233 = arith.addi %add3A_232, %mul3A_2 : i32
    %add3A_234 = arith.constant 0 : i32
    %add3A_235 = arith.addi %add3A_233, %add3A_234 : i32
    %dma_start3A_236 = arith.constant 5888 : i32
    %dma_start3A_237 = tpu.memref_slice %arg6[%dma_start3A_236] : memref<6656xi32, #tpu.memory_space<vmem>> -> memref<256xi32, #tpu.memory_space<vmem>>
    %dma_start3A_238 = tpu.memref_slice %arg2[%add3A_235] : memref<425984xi32, #tpu.memory_space<hbm>> -> memref<256xi32, #tpu.memory_space<hbm>>
    %dma_start3A_239 = arith.constant 5888 : i32
    %dma_start3A_240 = tpu.memref_slice %arg6[%dma_start3A_239] : memref<6656xi32, #tpu.memory_space<vmem>> -> memref<256xi32, #tpu.memory_space<vmem>>
    %dma_start3A_241 = tpu.memref_slice %arg2[%add3A_235] : memref<425984xi32, #tpu.memory_space<hbm>> -> memref<256xi32, #tpu.memory_space<hbm>>
    tpu.enqueue_dma source(%dma_start3A_241 : memref<256xi32, #tpu.memory_space<hbm>>) target(%dma_start3A_240 : memref<256xi32, #tpu.memory_space<vmem>>) target_semaphore(%arg12 : memref<!tpu.dma_semaphore, #tpu.memory_space<semaphore_mem>>)
    %add3A_242 = arith.constant 393216 : i32
    %add3A_243 = arith.addi %add3A_242, %mul3A_2 : i32
    %add3A_244 = arith.constant 0 : i32
    %add3A_245 = arith.addi %add3A_243, %add3A_244 : i32
    %dma_start3A_246 = arith.constant 6144 : i32
    %dma_start3A_247 = tpu.memref_slice %arg6[%dma_start3A_246] : memref<6656xi32, #tpu.memory_space<vmem>> -> memref<256xi32, #tpu.memory_space<vmem>>
    %dma_start3A_248 = tpu.memref_slice %arg2[%add3A_245] : memref<425984xi32, #tpu.memory_space<hbm>> -> memref<256xi32, #tpu.memory_space<hbm>>
    %dma_start3A_249 = arith.constant 6144 : i32
    %dma_start3A_250 = tpu.memref_slice %arg6[%dma_start3A_249] : memref<6656xi32, #tpu.memory_space<vmem>> -> memref<256xi32, #tpu.memory_space<vmem>>
    %dma_start3A_251 = tpu.memref_slice %arg2[%add3A_245] : memref<425984xi32, #tpu.memory_space<hbm>> -> memref<256xi32, #tpu.memory_space<hbm>>
    tpu.enqueue_dma source(%dma_start3A_251 : memref<256xi32, #tpu.memory_space<hbm>>) target(%dma_start3A_250 : memref<256xi32, #tpu.memory_space<vmem>>) target_semaphore(%arg12 : memref<!tpu.dma_semaphore, #tpu.memory_space<semaphore_mem>>)
    %add3A_252 = arith.constant 409600 : i32
    %add3A_253 = arith.addi %add3A_252, %mul3A_2 : i32
    %add3A_254 = arith.constant 0 : i32
    %add3A_255 = arith.addi %add3A_253, %add3A_254 : i32
    %dma_start3A_256 = arith.constant 6400 : i32
    %dma_start3A_257 = tpu.memref_slice %arg6[%dma_start3A_256] : memref<6656xi32, #tpu.memory_space<vmem>> -> memref<256xi32, #tpu.memory_space<vmem>>
    %dma_start3A_258 = tpu.memref_slice %arg2[%add3A_255] : memref<425984xi32, #tpu.memory_space<hbm>> -> memref<256xi32, #tpu.memory_space<hbm>>
    %dma_start3A_259 = arith.constant 6400 : i32
    %dma_start3A_260 = tpu.memref_slice %arg6[%dma_start3A_259] : memref<6656xi32, #tpu.memory_space<vmem>> -> memref<256xi32, #tpu.memory_space<vmem>>
    %dma_start3A_261 = tpu.memref_slice %arg2[%add3A_255] : memref<425984xi32, #tpu.memory_space<hbm>> -> memref<256xi32, #tpu.memory_space<hbm>>
    tpu.enqueue_dma source(%dma_start3A_261 : memref<256xi32, #tpu.memory_space<hbm>>) target(%dma_start3A_260 : memref<256xi32, #tpu.memory_space<vmem>>) target_semaphore(%arg12 : memref<!tpu.dma_semaphore, #tpu.memory_space<semaphore_mem>>)
    "tpu.region"() ({
      %run_scoped3A = tpu.sem_alloc : memref<!tpu.dma_semaphore, #tpu.memory_space<semaphore_mem>>
      tpu.enqueue_dma source(%arg4 : memref<16xf32, #tpu.memory_space<hbm>>) target(%arg11 : memref<16xf32, #tpu.memory_space<vmem>>) target_semaphore(%run_scoped3A : memref<!tpu.dma_semaphore, #tpu.memory_space<semaphore_mem>>)
      tpu.wait_dma2 semaphore(%run_scoped3A : memref<!tpu.dma_semaphore, #tpu.memory_space<semaphore_mem>>) src(%arg4 : memref<16xf32, #tpu.memory_space<hbm>>) dst(%arg11 : memref<16xf32, #tpu.memory_space<vmem>>)
      tpu.yield
    }) : () -> ()
    %dma_wait3A = arith.constant 0 : i32
    %dma_wait3A_262 = tpu.memref_slice %arg6[%dma_wait3A] : memref<6656xi32, #tpu.memory_space<vmem>> -> memref<256xi32, #tpu.memory_space<vmem>>
    %dma_wait3A_263 = tpu.memref_slice %arg2[%add3A_6] : memref<425984xi32, #tpu.memory_space<hbm>> -> memref<256xi32, #tpu.memory_space<hbm>>
    %dma_wait3A_264 = arith.constant 0 : i32
    %dma_wait3A_265 = tpu.memref_slice %arg6[%dma_wait3A_264] : memref<6656xi32, #tpu.memory_space<vmem>> -> memref<256xi32, #tpu.memory_space<vmem>>
    %dma_wait3A_266 = tpu.memref_slice %arg2[%add3A_6] : memref<425984xi32, #tpu.memory_space<hbm>> -> memref<256xi32, #tpu.memory_space<hbm>>
    tpu.wait_dma2 semaphore(%arg12 : memref<!tpu.dma_semaphore, #tpu.memory_space<semaphore_mem>>) src(%dma_wait3A_266 : memref<256xi32, #tpu.memory_space<hbm>>) dst(%dma_wait3A_265 : memref<256xi32, #tpu.memory_space<vmem>>)
    %dma_wait3A_267 = arith.constant 256 : i32
    %dma_wait3A_268 = tpu.memref_slice %arg6[%dma_wait3A_267] : memref<6656xi32, #tpu.memory_space<vmem>> -> memref<256xi32, #tpu.memory_space<vmem>>
    %dma_wait3A_269 = tpu.memref_slice %arg2[%add3A_15] : memref<425984xi32, #tpu.memory_space<hbm>> -> memref<256xi32, #tpu.memory_space<hbm>>
    %dma_wait3A_270 = arith.constant 256 : i32
    %dma_wait3A_271 = tpu.memref_slice %arg6[%dma_wait3A_270] : memref<6656xi32, #tpu.memory_space<vmem>> -> memref<256xi32, #tpu.memory_space<vmem>>
    %dma_wait3A_272 = tpu.memref_slice %arg2[%add3A_15] : memref<425984xi32, #tpu.memory_space<hbm>> -> memref<256xi32, #tpu.memory_space<hbm>>
    tpu.wait_dma2 semaphore(%arg12 : memref<!tpu.dma_semaphore, #tpu.memory_space<semaphore_mem>>) src(%dma_wait3A_272 : memref<256xi32, #tpu.memory_space<hbm>>) dst(%dma_wait3A_271 : memref<256xi32, #tpu.memory_space<vmem>>)
    %dma_wait3A_273 = arith.constant 512 : i32
    %dma_wait3A_274 = tpu.memref_slice %arg6[%dma_wait3A_273] : memref<6656xi32, #tpu.memory_space<vmem>> -> memref<256xi32, #tpu.memory_space<vmem>>
    %dma_wait3A_275 = tpu.memref_slice %arg2[%add3A_25] : memref<425984xi32, #tpu.memory_space<hbm>> -> memref<256xi32, #tpu.memory_space<hbm>>
    %dma_wait3A_276 = arith.constant 512 : i32
    %dma_wait3A_277 = tpu.memref_slice %arg6[%dma_wait3A_276] : memref<6656xi32, #tpu.memory_space<vmem>> -> memref<256xi32, #tpu.memory_space<vmem>>
    %dma_wait3A_278 = tpu.memref_slice %arg2[%add3A_25] : memref<425984xi32, #tpu.memory_space<hbm>> -> memref<256xi32, #tpu.memory_space<hbm>>
    tpu.wait_dma2 semaphore(%arg12 : memref<!tpu.dma_semaphore, #tpu.memory_space<semaphore_mem>>) src(%dma_wait3A_278 : memref<256xi32, #tpu.memory_space<hbm>>) dst(%dma_wait3A_277 : memref<256xi32, #tpu.memory_space<vmem>>)
    %dma_wait3A_279 = arith.constant 768 : i32
    %dma_wait3A_280 = tpu.memref_slice %arg6[%dma_wait3A_279] : memref<6656xi32, #tpu.memory_space<vmem>> -> memref<256xi32, #tpu.memory_space<vmem>>
    %dma_wait3A_281 = tpu.memref_slice %arg2[%add3A_35] : memref<425984xi32, #tpu.memory_space<hbm>> -> memref<256xi32, #tpu.memory_space<hbm>>
    %dma_wait3A_282 = arith.constant 768 : i32
    %dma_wait3A_283 = tpu.memref_slice %arg6[%dma_wait3A_282] : memref<6656xi32, #tpu.memory_space<vmem>> -> memref<256xi32, #tpu.memory_space<vmem>>
    %dma_wait3A_284 = tpu.memref_slice %arg2[%add3A_35] : memref<425984xi32, #tpu.memory_space<hbm>> -> memref<256xi32, #tpu.memory_space<hbm>>
    tpu.wait_dma2 semaphore(%arg12 : memref<!tpu.dma_semaphore, #tpu.memory_space<semaphore_mem>>) src(%dma_wait3A_284 : memref<256xi32, #tpu.memory_space<hbm>>) dst(%dma_wait3A_283 : memref<256xi32, #tpu.memory_space<vmem>>)
    %dma_wait3A_285 = arith.constant 1024 : i32
    %dma_wait3A_286 = tpu.memref_slice %arg6[%dma_wait3A_285] : memref<6656xi32, #tpu.memory_space<vmem>> -> memref<256xi32, #tpu.memory_space<vmem>>
    %dma_wait3A_287 = tpu.memref_slice %arg2[%add3A_45] : memref<425984xi32, #tpu.memory_space<hbm>> -> memref<256xi32, #tpu.memory_space<hbm>>
    %dma_wait3A_288 = arith.constant 1024 : i32
    %dma_wait3A_289 = tpu.memref_slice %arg6[%dma_wait3A_288] : memref<6656xi32, #tpu.memory_space<vmem>> -> memref<256xi32, #tpu.memory_space<vmem>>
    %dma_wait3A_290 = tpu.memref_slice %arg2[%add3A_45] : memref<425984xi32, #tpu.memory_space<hbm>> -> memref<256xi32, #tpu.memory_space<hbm>>
    tpu.wait_dma2 semaphore(%arg12 : memref<!tpu.dma_semaphore, #tpu.memory_space<semaphore_mem>>) src(%dma_wait3A_290 : memref<256xi32, #tpu.memory_space<hbm>>) dst(%dma_wait3A_289 : memref<256xi32, #tpu.memory_space<vmem>>)
    %dma_wait3A_291 = arith.constant 1280 : i32
    %dma_wait3A_292 = tpu.memref_slice %arg6[%dma_wait3A_291] : memref<6656xi32, #tpu.memory_space<vmem>> -> memref<256xi32, #tpu.memory_space<vmem>>
    %dma_wait3A_293 = tpu.memref_slice %arg2[%add3A_55] : memref<425984xi32, #tpu.memory_space<hbm>> -> memref<256xi32, #tpu.memory_space<hbm>>
    %dma_wait3A_294 = arith.constant 1280 : i32
    %dma_wait3A_295 = tpu.memref_slice %arg6[%dma_wait3A_294] : memref<6656xi32, #tpu.memory_space<vmem>> -> memref<256xi32, #tpu.memory_space<vmem>>
    %dma_wait3A_296 = tpu.memref_slice %arg2[%add3A_55] : memref<425984xi32, #tpu.memory_space<hbm>> -> memref<256xi32, #tpu.memory_space<hbm>>
    tpu.wait_dma2 semaphore(%arg12 : memref<!tpu.dma_semaphore, #tpu.memory_space<semaphore_mem>>) src(%dma_wait3A_296 : memref<256xi32, #tpu.memory_space<hbm>>) dst(%dma_wait3A_295 : memref<256xi32, #tpu.memory_space<vmem>>)
    %dma_wait3A_297 = arith.constant 1536 : i32
    %dma_wait3A_298 = tpu.memref_slice %arg6[%dma_wait3A_297] : memref<6656xi32, #tpu.memory_space<vmem>> -> memref<256xi32, #tpu.memory_space<vmem>>
    %dma_wait3A_299 = tpu.memref_slice %arg2[%add3A_65] : memref<425984xi32, #tpu.memory_space<hbm>> -> memref<256xi32, #tpu.memory_space<hbm>>
    %dma_wait3A_300 = arith.constant 1536 : i32
    %dma_wait3A_301 = tpu.memref_slice %arg6[%dma_wait3A_300] : memref<6656xi32, #tpu.memory_space<vmem>> -> memref<256xi32, #tpu.memory_space<vmem>>
    %dma_wait3A_302 = tpu.memref_slice %arg2[%add3A_65] : memref<425984xi32, #tpu.memory_space<hbm>> -> memref<256xi32, #tpu.memory_space<hbm>>
    tpu.wait_dma2 semaphore(%arg12 : memref<!tpu.dma_semaphore, #tpu.memory_space<semaphore_mem>>) src(%dma_wait3A_302 : memref<256xi32, #tpu.memory_space<hbm>>) dst(%dma_wait3A_301 : memref<256xi32, #tpu.memory_space<vmem>>)
    %dma_wait3A_303 = arith.constant 1792 : i32
    %dma_wait3A_304 = tpu.memref_slice %arg6[%dma_wait3A_303] : memref<6656xi32, #tpu.memory_space<vmem>> -> memref<256xi32, #tpu.memory_space<vmem>>
    %dma_wait3A_305 = tpu.memref_slice %arg2[%add3A_75] : memref<425984xi32, #tpu.memory_space<hbm>> -> memref<256xi32, #tpu.memory_space<hbm>>
    %dma_wait3A_306 = arith.constant 1792 : i32
    %dma_wait3A_307 = tpu.memref_slice %arg6[%dma_wait3A_306] : memref<6656xi32, #tpu.memory_space<vmem>> -> memref<256xi32, #tpu.memory_space<vmem>>
    %dma_wait3A_308 = tpu.memref_slice %arg2[%add3A_75] : memref<425984xi32, #tpu.memory_space<hbm>> -> memref<256xi32, #tpu.memory_space<hbm>>
    tpu.wait_dma2 semaphore(%arg12 : memref<!tpu.dma_semaphore, #tpu.memory_space<semaphore_mem>>) src(%dma_wait3A_308 : memref<256xi32, #tpu.memory_space<hbm>>) dst(%dma_wait3A_307 : memref<256xi32, #tpu.memory_space<vmem>>)
    %dma_wait3A_309 = arith.constant 2048 : i32
    %dma_wait3A_310 = tpu.memref_slice %arg6[%dma_wait3A_309] : memref<6656xi32, #tpu.memory_space<vmem>> -> memref<256xi32, #tpu.memory_space<vmem>>
    %dma_wait3A_311 = tpu.memref_slice %arg2[%add3A_85] : memref<425984xi32, #tpu.memory_space<hbm>> -> memref<256xi32, #tpu.memory_space<hbm>>
    %dma_wait3A_312 = arith.constant 2048 : i32
    %dma_wait3A_313 = tpu.memref_slice %arg6[%dma_wait3A_312] : memref<6656xi32, #tpu.memory_space<vmem>> -> memref<256xi32, #tpu.memory_space<vmem>>
    %dma_wait3A_314 = tpu.memref_slice %arg2[%add3A_85] : memref<425984xi32, #tpu.memory_space<hbm>> -> memref<256xi32, #tpu.memory_space<hbm>>
    tpu.wait_dma2 semaphore(%arg12 : memref<!tpu.dma_semaphore, #tpu.memory_space<semaphore_mem>>) src(%dma_wait3A_314 : memref<256xi32, #tpu.memory_space<hbm>>) dst(%dma_wait3A_313 : memref<256xi32, #tpu.memory_space<vmem>>)
    %dma_wait3A_315 = arith.constant 2304 : i32
    %dma_wait3A_316 = tpu.memref_slice %arg6[%dma_wait3A_315] : memref<6656xi32, #tpu.memory_space<vmem>> -> memref<256xi32, #tpu.memory_space<vmem>>
    %dma_wait3A_317 = tpu.memref_slice %arg2[%add3A_95] : memref<425984xi32, #tpu.memory_space<hbm>> -> memref<256xi32, #tpu.memory_space<hbm>>
    %dma_wait3A_318 = arith.constant 2304 : i32
    %dma_wait3A_319 = tpu.memref_slice %arg6[%dma_wait3A_318] : memref<6656xi32, #tpu.memory_space<vmem>> -> memref<256xi32, #tpu.memory_space<vmem>>
    %dma_wait3A_320 = tpu.memref_slice %arg2[%add3A_95] : memref<425984xi32, #tpu.memory_space<hbm>> -> memref<256xi32, #tpu.memory_space<hbm>>
    tpu.wait_dma2 semaphore(%arg12 : memref<!tpu.dma_semaphore, #tpu.memory_space<semaphore_mem>>) src(%dma_wait3A_320 : memref<256xi32, #tpu.memory_space<hbm>>) dst(%dma_wait3A_319 : memref<256xi32, #tpu.memory_space<vmem>>)
    %dma_wait3A_321 = arith.constant 2560 : i32
    %dma_wait3A_322 = tpu.memref_slice %arg6[%dma_wait3A_321] : memref<6656xi32, #tpu.memory_space<vmem>> -> memref<256xi32, #tpu.memory_space<vmem>>
    %dma_wait3A_323 = tpu.memref_slice %arg2[%add3A_105] : memref<425984xi32, #tpu.memory_space<hbm>> -> memref<256xi32, #tpu.memory_space<hbm>>
    %dma_wait3A_324 = arith.constant 2560 : i32
    %dma_wait3A_325 = tpu.memref_slice %arg6[%dma_wait3A_324] : memref<6656xi32, #tpu.memory_space<vmem>> -> memref<256xi32, #tpu.memory_space<vmem>>
    %dma_wait3A_326 = tpu.memref_slice %arg2[%add3A_105] : memref<425984xi32, #tpu.memory_space<hbm>> -> memref<256xi32, #tpu.memory_space<hbm>>
    tpu.wait_dma2 semaphore(%arg12 : memref<!tpu.dma_semaphore, #tpu.memory_space<semaphore_mem>>) src(%dma_wait3A_326 : memref<256xi32, #tpu.memory_space<hbm>>) dst(%dma_wait3A_325 : memref<256xi32, #tpu.memory_space<vmem>>)
    %dma_wait3A_327 = arith.constant 2816 : i32
    %dma_wait3A_328 = tpu.memref_slice %arg6[%dma_wait3A_327] : memref<6656xi32, #tpu.memory_space<vmem>> -> memref<256xi32, #tpu.memory_space<vmem>>
    %dma_wait3A_329 = tpu.memref_slice %arg2[%add3A_115] : memref<425984xi32, #tpu.memory_space<hbm>> -> memref<256xi32, #tpu.memory_space<hbm>>
    %dma_wait3A_330 = arith.constant 2816 : i32
    %dma_wait3A_331 = tpu.memref_slice %arg6[%dma_wait3A_330] : memref<6656xi32, #tpu.memory_space<vmem>> -> memref<256xi32, #tpu.memory_space<vmem>>
    %dma_wait3A_332 = tpu.memref_slice %arg2[%add3A_115] : memref<425984xi32, #tpu.memory_space<hbm>> -> memref<256xi32, #tpu.memory_space<hbm>>
    tpu.wait_dma2 semaphore(%arg12 : memref<!tpu.dma_semaphore, #tpu.memory_space<semaphore_mem>>) src(%dma_wait3A_332 : memref<256xi32, #tpu.memory_space<hbm>>) dst(%dma_wait3A_331 : memref<256xi32, #tpu.memory_space<vmem>>)
    %dma_wait3A_333 = arith.constant 3072 : i32
    %dma_wait3A_334 = tpu.memref_slice %arg6[%dma_wait3A_333] : memref<6656xi32, #tpu.memory_space<vmem>> -> memref<256xi32, #tpu.memory_space<vmem>>
    %dma_wait3A_335 = tpu.memref_slice %arg2[%add3A_125] : memref<425984xi32, #tpu.memory_space<hbm>> -> memref<256xi32, #tpu.memory_space<hbm>>
    %dma_wait3A_336 = arith.constant 3072 : i32
    %dma_wait3A_337 = tpu.memref_slice %arg6[%dma_wait3A_336] : memref<6656xi32, #tpu.memory_space<vmem>> -> memref<256xi32, #tpu.memory_space<vmem>>
    %dma_wait3A_338 = tpu.memref_slice %arg2[%add3A_125] : memref<425984xi32, #tpu.memory_space<hbm>> -> memref<256xi32, #tpu.memory_space<hbm>>
    tpu.wait_dma2 semaphore(%arg12 : memref<!tpu.dma_semaphore, #tpu.memory_space<semaphore_mem>>) src(%dma_wait3A_338 : memref<256xi32, #tpu.memory_space<hbm>>) dst(%dma_wait3A_337 : memref<256xi32, #tpu.memory_space<vmem>>)
    %dma_wait3A_339 = arith.constant 3328 : i32
    %dma_wait3A_340 = tpu.memref_slice %arg6[%dma_wait3A_339] : memref<6656xi32, #tpu.memory_space<vmem>> -> memref<256xi32, #tpu.memory_space<vmem>>
    %dma_wait3A_341 = tpu.memref_slice %arg2[%add3A_135] : memref<425984xi32, #tpu.memory_space<hbm>> -> memref<256xi32, #tpu.memory_space<hbm>>
    %dma_wait3A_342 = arith.constant 3328 : i32
    %dma_wait3A_343 = tpu.memref_slice %arg6[%dma_wait3A_342] : memref<6656xi32, #tpu.memory_space<vmem>> -> memref<256xi32, #tpu.memory_space<vmem>>
    %dma_wait3A_344 = tpu.memref_slice %arg2[%add3A_135] : memref<425984xi32, #tpu.memory_space<hbm>> -> memref<256xi32, #tpu.memory_space<hbm>>
    tpu.wait_dma2 semaphore(%arg12 : memref<!tpu.dma_semaphore, #tpu.memory_space<semaphore_mem>>) src(%dma_wait3A_344 : memref<256xi32, #tpu.memory_space<hbm>>) dst(%dma_wait3A_343 : memref<256xi32, #tpu.memory_space<vmem>>)
    %dma_wait3A_345 = arith.constant 3584 : i32
    %dma_wait3A_346 = tpu.memref_slice %arg6[%dma_wait3A_345] : memref<6656xi32, #tpu.memory_space<vmem>> -> memref<256xi32, #tpu.memory_space<vmem>>
    %dma_wait3A_347 = tpu.memref_slice %arg2[%add3A_145] : memref<425984xi32, #tpu.memory_space<hbm>> -> memref<256xi32, #tpu.memory_space<hbm>>
    %dma_wait3A_348 = arith.constant 3584 : i32
    %dma_wait3A_349 = tpu.memref_slice %arg6[%dma_wait3A_348] : memref<6656xi32, #tpu.memory_space<vmem>> -> memref<256xi32, #tpu.memory_space<vmem>>
    %dma_wait3A_350 = tpu.memref_slice %arg2[%add3A_145] : memref<425984xi32, #tpu.memory_space<hbm>> -> memref<256xi32, #tpu.memory_space<hbm>>
    tpu.wait_dma2 semaphore(%arg12 : memref<!tpu.dma_semaphore, #tpu.memory_space<semaphore_mem>>) src(%dma_wait3A_350 : memref<256xi32, #tpu.memory_space<hbm>>) dst(%dma_wait3A_349 : memref<256xi32, #tpu.memory_space<vmem>>)
    %dma_wait3A_351 = arith.constant 3840 : i32
    %dma_wait3A_352 = tpu.memref_slice %arg6[%dma_wait3A_351] : memref<6656xi32, #tpu.memory_space<vmem>> -> memref<256xi32, #tpu.memory_space<vmem>>
    %dma_wait3A_353 = tpu.memref_slice %arg2[%add3A_155] : memref<425984xi32, #tpu.memory_space<hbm>> -> memref<256xi32, #tpu.memory_space<hbm>>
    %dma_wait3A_354 = arith.constant 3840 : i32
    %dma_wait3A_355 = tpu.memref_slice %arg6[%dma_wait3A_354] : memref<6656xi32, #tpu.memory_space<vmem>> -> memref<256xi32, #tpu.memory_space<vmem>>
    %dma_wait3A_356 = tpu.memref_slice %arg2[%add3A_155] : memref<425984xi32, #tpu.memory_space<hbm>> -> memref<256xi32, #tpu.memory_space<hbm>>
    tpu.wait_dma2 semaphore(%arg12 : memref<!tpu.dma_semaphore, #tpu.memory_space<semaphore_mem>>) src(%dma_wait3A_356 : memref<256xi32, #tpu.memory_space<hbm>>) dst(%dma_wait3A_355 : memref<256xi32, #tpu.memory_space<vmem>>)
    %dma_wait3A_357 = arith.constant 4096 : i32
    %dma_wait3A_358 = tpu.memref_slice %arg6[%dma_wait3A_357] : memref<6656xi32, #tpu.memory_space<vmem>> -> memref<256xi32, #tpu.memory_space<vmem>>
    %dma_wait3A_359 = tpu.memref_slice %arg2[%add3A_165] : memref<425984xi32, #tpu.memory_space<hbm>> -> memref<256xi32, #tpu.memory_space<hbm>>
    %dma_wait3A_360 = arith.constant 4096 : i32
    %dma_wait3A_361 = tpu.memref_slice %arg6[%dma_wait3A_360] : memref<6656xi32, #tpu.memory_space<vmem>> -> memref<256xi32, #tpu.memory_space<vmem>>
    %dma_wait3A_362 = tpu.memref_slice %arg2[%add3A_165] : memref<425984xi32, #tpu.memory_space<hbm>> -> memref<256xi32, #tpu.memory_space<hbm>>
    tpu.wait_dma2 semaphore(%arg12 : memref<!tpu.dma_semaphore, #tpu.memory_space<semaphore_mem>>) src(%dma_wait3A_362 : memref<256xi32, #tpu.memory_space<hbm>>) dst(%dma_wait3A_361 : memref<256xi32, #tpu.memory_space<vmem>>)
    %dma_wait3A_363 = arith.constant 4352 : i32
    %dma_wait3A_364 = tpu.memref_slice %arg6[%dma_wait3A_363] : memref<6656xi32, #tpu.memory_space<vmem>> -> memref<256xi32, #tpu.memory_space<vmem>>
    %dma_wait3A_365 = tpu.memref_slice %arg2[%add3A_175] : memref<425984xi32, #tpu.memory_space<hbm>> -> memref<256xi32, #tpu.memory_space<hbm>>
    %dma_wait3A_366 = arith.constant 4352 : i32
    %dma_wait3A_367 = tpu.memref_slice %arg6[%dma_wait3A_366] : memref<6656xi32, #tpu.memory_space<vmem>> -> memref<256xi32, #tpu.memory_space<vmem>>
    %dma_wait3A_368 = tpu.memref_slice %arg2[%add3A_175] : memref<425984xi32, #tpu.memory_space<hbm>> -> memref<256xi32, #tpu.memory_space<hbm>>
    tpu.wait_dma2 semaphore(%arg12 : memref<!tpu.dma_semaphore, #tpu.memory_space<semaphore_mem>>) src(%dma_wait3A_368 : memref<256xi32, #tpu.memory_space<hbm>>) dst(%dma_wait3A_367 : memref<256xi32, #tpu.memory_space<vmem>>)
    %dma_wait3A_369 = arith.constant 4608 : i32
    %dma_wait3A_370 = tpu.memref_slice %arg6[%dma_wait3A_369] : memref<6656xi32, #tpu.memory_space<vmem>> -> memref<256xi32, #tpu.memory_space<vmem>>
    %dma_wait3A_371 = tpu.memref_slice %arg2[%add3A_185] : memref<425984xi32, #tpu.memory_space<hbm>> -> memref<256xi32, #tpu.memory_space<hbm>>
    %dma_wait3A_372 = arith.constant 4608 : i32
    %dma_wait3A_373 = tpu.memref_slice %arg6[%dma_wait3A_372] : memref<6656xi32, #tpu.memory_space<vmem>> -> memref<256xi32, #tpu.memory_space<vmem>>
    %dma_wait3A_374 = tpu.memref_slice %arg2[%add3A_185] : memref<425984xi32, #tpu.memory_space<hbm>> -> memref<256xi32, #tpu.memory_space<hbm>>
    tpu.wait_dma2 semaphore(%arg12 : memref<!tpu.dma_semaphore, #tpu.memory_space<semaphore_mem>>) src(%dma_wait3A_374 : memref<256xi32, #tpu.memory_space<hbm>>) dst(%dma_wait3A_373 : memref<256xi32, #tpu.memory_space<vmem>>)
    %dma_wait3A_375 = arith.constant 4864 : i32
    %dma_wait3A_376 = tpu.memref_slice %arg6[%dma_wait3A_375] : memref<6656xi32, #tpu.memory_space<vmem>> -> memref<256xi32, #tpu.memory_space<vmem>>
    %dma_wait3A_377 = tpu.memref_slice %arg2[%add3A_195] : memref<425984xi32, #tpu.memory_space<hbm>> -> memref<256xi32, #tpu.memory_space<hbm>>
    %dma_wait3A_378 = arith.constant 4864 : i32
    %dma_wait3A_379 = tpu.memref_slice %arg6[%dma_wait3A_378] : memref<6656xi32, #tpu.memory_space<vmem>> -> memref<256xi32, #tpu.memory_space<vmem>>
    %dma_wait3A_380 = tpu.memref_slice %arg2[%add3A_195] : memref<425984xi32, #tpu.memory_space<hbm>> -> memref<256xi32, #tpu.memory_space<hbm>>
    tpu.wait_dma2 semaphore(%arg12 : memref<!tpu.dma_semaphore, #tpu.memory_space<semaphore_mem>>) src(%dma_wait3A_380 : memref<256xi32, #tpu.memory_space<hbm>>) dst(%dma_wait3A_379 : memref<256xi32, #tpu.memory_space<vmem>>)
    %dma_wait3A_381 = arith.constant 5120 : i32
    %dma_wait3A_382 = tpu.memref_slice %arg6[%dma_wait3A_381] : memref<6656xi32, #tpu.memory_space<vmem>> -> memref<256xi32, #tpu.memory_space<vmem>>
    %dma_wait3A_383 = tpu.memref_slice %arg2[%add3A_205] : memref<425984xi32, #tpu.memory_space<hbm>> -> memref<256xi32, #tpu.memory_space<hbm>>
    %dma_wait3A_384 = arith.constant 5120 : i32
    %dma_wait3A_385 = tpu.memref_slice %arg6[%dma_wait3A_384] : memref<6656xi32, #tpu.memory_space<vmem>> -> memref<256xi32, #tpu.memory_space<vmem>>
    %dma_wait3A_386 = tpu.memref_slice %arg2[%add3A_205] : memref<425984xi32, #tpu.memory_space<hbm>> -> memref<256xi32, #tpu.memory_space<hbm>>
    tpu.wait_dma2 semaphore(%arg12 : memref<!tpu.dma_semaphore, #tpu.memory_space<semaphore_mem>>) src(%dma_wait3A_386 : memref<256xi32, #tpu.memory_space<hbm>>) dst(%dma_wait3A_385 : memref<256xi32, #tpu.memory_space<vmem>>)
    %dma_wait3A_387 = arith.constant 5376 : i32
    %dma_wait3A_388 = tpu.memref_slice %arg6[%dma_wait3A_387] : memref<6656xi32, #tpu.memory_space<vmem>> -> memref<256xi32, #tpu.memory_space<vmem>>
    %dma_wait3A_389 = tpu.memref_slice %arg2[%add3A_215] : memref<425984xi32, #tpu.memory_space<hbm>> -> memref<256xi32, #tpu.memory_space<hbm>>
    %dma_wait3A_390 = arith.constant 5376 : i32
    %dma_wait3A_391 = tpu.memref_slice %arg6[%dma_wait3A_390] : memref<6656xi32, #tpu.memory_space<vmem>> -> memref<256xi32, #tpu.memory_space<vmem>>
    %dma_wait3A_392 = tpu.memref_slice %arg2[%add3A_215] : memref<425984xi32, #tpu.memory_space<hbm>> -> memref<256xi32, #tpu.memory_space<hbm>>
    tpu.wait_dma2 semaphore(%arg12 : memref<!tpu.dma_semaphore, #tpu.memory_space<semaphore_mem>>) src(%dma_wait3A_392 : memref<256xi32, #tpu.memory_space<hbm>>) dst(%dma_wait3A_391 : memref<256xi32, #tpu.memory_space<vmem>>)
    %dma_wait3A_393 = arith.constant 5632 : i32
    %dma_wait3A_394 = tpu.memref_slice %arg6[%dma_wait3A_393] : memref<6656xi32, #tpu.memory_space<vmem>> -> memref<256xi32, #tpu.memory_space<vmem>>
    %dma_wait3A_395 = tpu.memref_slice %arg2[%add3A_225] : memref<425984xi32, #tpu.memory_space<hbm>> -> memref<256xi32, #tpu.memory_space<hbm>>
    %dma_wait3A_396 = arith.constant 5632 : i32
    %dma_wait3A_397 = tpu.memref_slice %arg6[%dma_wait3A_396] : memref<6656xi32, #tpu.memory_space<vmem>> -> memref<256xi32, #tpu.memory_space<vmem>>
    %dma_wait3A_398 = tpu.memref_slice %arg2[%add3A_225] : memref<425984xi32, #tpu.memory_space<hbm>> -> memref<256xi32, #tpu.memory_space<hbm>>
    tpu.wait_dma2 semaphore(%arg12 : memref<!tpu.dma_semaphore, #tpu.memory_space<semaphore_mem>>) src(%dma_wait3A_398 : memref<256xi32, #tpu.memory_space<hbm>>) dst(%dma_wait3A_397 : memref<256xi32, #tpu.memory_space<vmem>>)
    %dma_wait3A_399 = arith.constant 5888 : i32
    %dma_wait3A_400 = tpu.memref_slice %arg6[%dma_wait3A_399] : memref<6656xi32, #tpu.memory_space<vmem>> -> memref<256xi32, #tpu.memory_space<vmem>>
    %dma_wait3A_401 = tpu.memref_slice %arg2[%add3A_235] : memref<425984xi32, #tpu.memory_space<hbm>> -> memref<256xi32, #tpu.memory_space<hbm>>
    %dma_wait3A_402 = arith.constant 5888 : i32
    %dma_wait3A_403 = tpu.memref_slice %arg6[%dma_wait3A_402] : memref<6656xi32, #tpu.memory_space<vmem>> -> memref<256xi32, #tpu.memory_space<vmem>>
    %dma_wait3A_404 = tpu.memref_slice %arg2[%add3A_235] : memref<425984xi32, #tpu.memory_space<hbm>> -> memref<256xi32, #tpu.memory_space<hbm>>
    tpu.wait_dma2 semaphore(%arg12 : memref<!tpu.dma_semaphore, #tpu.memory_space<semaphore_mem>>) src(%dma_wait3A_404 : memref<256xi32, #tpu.memory_space<hbm>>) dst(%dma_wait3A_403 : memref<256xi32, #tpu.memory_space<vmem>>)
    %dma_wait3A_405 = arith.constant 6144 : i32
    %dma_wait3A_406 = tpu.memref_slice %arg6[%dma_wait3A_405] : memref<6656xi32, #tpu.memory_space<vmem>> -> memref<256xi32, #tpu.memory_space<vmem>>
    %dma_wait3A_407 = tpu.memref_slice %arg2[%add3A_245] : memref<425984xi32, #tpu.memory_space<hbm>> -> memref<256xi32, #tpu.memory_space<hbm>>
    %dma_wait3A_408 = arith.constant 6144 : i32
    %dma_wait3A_409 = tpu.memref_slice %arg6[%dma_wait3A_408] : memref<6656xi32, #tpu.memory_space<vmem>> -> memref<256xi32, #tpu.memory_space<vmem>>
    %dma_wait3A_410 = tpu.memref_slice %arg2[%add3A_245] : memref<425984xi32, #tpu.memory_space<hbm>> -> memref<256xi32, #tpu.memory_space<hbm>>
    tpu.wait_dma2 semaphore(%arg12 : memref<!tpu.dma_semaphore, #tpu.memory_space<semaphore_mem>>) src(%dma_wait3A_410 : memref<256xi32, #tpu.memory_space<hbm>>) dst(%dma_wait3A_409 : memref<256xi32, #tpu.memory_space<vmem>>)
    %dma_wait3A_411 = arith.constant 6400 : i32
    %dma_wait3A_412 = tpu.memref_slice %arg6[%dma_wait3A_411] : memref<6656xi32, #tpu.memory_space<vmem>> -> memref<256xi32, #tpu.memory_space<vmem>>
    %dma_wait3A_413 = tpu.memref_slice %arg2[%add3A_255] : memref<425984xi32, #tpu.memory_space<hbm>> -> memref<256xi32, #tpu.memory_space<hbm>>
    %dma_wait3A_414 = arith.constant 6400 : i32
    %dma_wait3A_415 = tpu.memref_slice %arg6[%dma_wait3A_414] : memref<6656xi32, #tpu.memory_space<vmem>> -> memref<256xi32, #tpu.memory_space<vmem>>
    %dma_wait3A_416 = tpu.memref_slice %arg2[%add3A_255] : memref<425984xi32, #tpu.memory_space<hbm>> -> memref<256xi32, #tpu.memory_space<hbm>>
    tpu.wait_dma2 semaphore(%arg12 : memref<!tpu.dma_semaphore, #tpu.memory_space<semaphore_mem>>) src(%dma_wait3A_416 : memref<256xi32, #tpu.memory_space<hbm>>) dst(%dma_wait3A_415 : memref<256xi32, #tpu.memory_space<vmem>>)
    %dma_start3A_417 = arith.constant 0 : i32
    %dma_start3A_418 = tpu.memref_slice %arg3[%dma_start3A_417] : memref<1040384xf32, #tpu.memory_space<hbm>> -> memref<1040384xf32, #tpu.memory_space<hbm>>
    tpu.enqueue_indirect_dma source(%dma_start3A_418 : memref<1040384xf32, #tpu.memory_space<hbm>>) target(%arg8 : memref<6656xf32, #tpu.memory_space<vmem>>) offsets(%arg6 : memref<6656xi32, #tpu.memory_space<vmem>>) semaphore(%arg14 : memref<!tpu.dma_semaphore, #tpu.memory_space<semaphore_mem>>)
    %add3A_419 = arith.constant 0 : i32
    %add3A_420 = arith.addi %add3A_419, %mul3A_2 : i32
    %add3A_421 = arith.constant 256 : i32
    %add3A_422 = arith.addi %add3A_420, %add3A_421 : i32
    %dma_start3A_423 = arith.constant 0 : i32
    %dma_start3A_424 = tpu.memref_slice %arg7[%dma_start3A_423] : memref<6656xi32, #tpu.memory_space<vmem>> -> memref<256xi32, #tpu.memory_space<vmem>>
    %dma_start3A_425 = tpu.memref_slice %arg2[%add3A_422] : memref<425984xi32, #tpu.memory_space<hbm>> -> memref<256xi32, #tpu.memory_space<hbm>>
    %dma_start3A_426 = arith.constant 0 : i32
    %dma_start3A_427 = tpu.memref_slice %arg7[%dma_start3A_426] : memref<6656xi32, #tpu.memory_space<vmem>> -> memref<256xi32, #tpu.memory_space<vmem>>
    %dma_start3A_428 = tpu.memref_slice %arg2[%add3A_422] : memref<425984xi32, #tpu.memory_space<hbm>> -> memref<256xi32, #tpu.memory_space<hbm>>
    tpu.enqueue_dma source(%dma_start3A_428 : memref<256xi32, #tpu.memory_space<hbm>>) target(%dma_start3A_427 : memref<256xi32, #tpu.memory_space<vmem>>) target_semaphore(%arg13 : memref<!tpu.dma_semaphore, #tpu.memory_space<semaphore_mem>>)
    %add3A_429 = arith.constant 16384 : i32
    %add3A_430 = arith.addi %add3A_429, %mul3A_2 : i32
    %add3A_431 = arith.constant 256 : i32
    %add3A_432 = arith.addi %add3A_430, %add3A_431 : i32
    %dma_start3A_433 = arith.constant 256 : i32
    %dma_start3A_434 = tpu.memref_slice %arg7[%dma_start3A_433] : memref<6656xi32, #tpu.memory_space<vmem>> -> memref<256xi32, #tpu.memory_space<vmem>>
    %dma_start3A_435 = tpu.memref_slice %arg2[%add3A_432] : memref<425984xi32, #tpu.memory_space<hbm>> -> memref<256xi32, #tpu.memory_space<hbm>>
    %dma_start3A_436 = arith.constant 256 : i32
    %dma_start3A_437 = tpu.memref_slice %arg7[%dma_start3A_436] : memref<6656xi32, #tpu.memory_space<vmem>> -> memref<256xi32, #tpu.memory_space<vmem>>
    %dma_start3A_438 = tpu.memref_slice %arg2[%add3A_432] : memref<425984xi32, #tpu.memory_space<hbm>> -> memref<256xi32, #tpu.memory_space<hbm>>
    tpu.enqueue_dma source(%dma_start3A_438 : memref<256xi32, #tpu.memory_space<hbm>>) target(%dma_start3A_437 : memref<256xi32, #tpu.memory_space<vmem>>) target_semaphore(%arg13 : memref<!tpu.dma_semaphore, #tpu.memory_space<semaphore_mem>>)
    %add3A_439 = arith.constant 32768 : i32
    %add3A_440 = arith.addi %add3A_439, %mul3A_2 : i32
    %add3A_441 = arith.constant 256 : i32
    %add3A_442 = arith.addi %add3A_440, %add3A_441 : i32
    %dma_start3A_443 = arith.constant 512 : i32
    %dma_start3A_444 = tpu.memref_slice %arg7[%dma_start3A_443] : memref<6656xi32, #tpu.memory_space<vmem>> -> memref<256xi32, #tpu.memory_space<vmem>>
    %dma_start3A_445 = tpu.memref_slice %arg2[%add3A_442] : memref<425984xi32, #tpu.memory_space<hbm>> -> memref<256xi32, #tpu.memory_space<hbm>>
    %dma_start3A_446 = arith.constant 512 : i32
    %dma_start3A_447 = tpu.memref_slice %arg7[%dma_start3A_446] : memref<6656xi32, #tpu.memory_space<vmem>> -> memref<256xi32, #tpu.memory_space<vmem>>
    %dma_start3A_448 = tpu.memref_slice %arg2[%add3A_442] : memref<425984xi32, #tpu.memory_space<hbm>> -> memref<256xi32, #tpu.memory_space<hbm>>
    tpu.enqueue_dma source(%dma_start3A_448 : memref<256xi32, #tpu.memory_space<hbm>>) target(%dma_start3A_447 : memref<256xi32, #tpu.memory_space<vmem>>) target_semaphore(%arg13 : memref<!tpu.dma_semaphore, #tpu.memory_space<semaphore_mem>>)
    %add3A_449 = arith.constant 49152 : i32
    %add3A_450 = arith.addi %add3A_449, %mul3A_2 : i32
    %add3A_451 = arith.constant 256 : i32
    %add3A_452 = arith.addi %add3A_450, %add3A_451 : i32
    %dma_start3A_453 = arith.constant 768 : i32
    %dma_start3A_454 = tpu.memref_slice %arg7[%dma_start3A_453] : memref<6656xi32, #tpu.memory_space<vmem>> -> memref<256xi32, #tpu.memory_space<vmem>>
    %dma_start3A_455 = tpu.memref_slice %arg2[%add3A_452] : memref<425984xi32, #tpu.memory_space<hbm>> -> memref<256xi32, #tpu.memory_space<hbm>>
    %dma_start3A_456 = arith.constant 768 : i32
    %dma_start3A_457 = tpu.memref_slice %arg7[%dma_start3A_456] : memref<6656xi32, #tpu.memory_space<vmem>> -> memref<256xi32, #tpu.memory_space<vmem>>
    %dma_start3A_458 = tpu.memref_slice %arg2[%add3A_452] : memref<425984xi32, #tpu.memory_space<hbm>> -> memref<256xi32, #tpu.memory_space<hbm>>
    tpu.enqueue_dma source(%dma_start3A_458 : memref<256xi32, #tpu.memory_space<hbm>>) target(%dma_start3A_457 : memref<256xi32, #tpu.memory_space<vmem>>) target_semaphore(%arg13 : memref<!tpu.dma_semaphore, #tpu.memory_space<semaphore_mem>>)
    %add3A_459 = arith.constant 65536 : i32
    %add3A_460 = arith.addi %add3A_459, %mul3A_2 : i32
    %add3A_461 = arith.constant 256 : i32
    %add3A_462 = arith.addi %add3A_460, %add3A_461 : i32
    %dma_start3A_463 = arith.constant 1024 : i32
    %dma_start3A_464 = tpu.memref_slice %arg7[%dma_start3A_463] : memref<6656xi32, #tpu.memory_space<vmem>> -> memref<256xi32, #tpu.memory_space<vmem>>
    %dma_start3A_465 = tpu.memref_slice %arg2[%add3A_462] : memref<425984xi32, #tpu.memory_space<hbm>> -> memref<256xi32, #tpu.memory_space<hbm>>
    %dma_start3A_466 = arith.constant 1024 : i32
    %dma_start3A_467 = tpu.memref_slice %arg7[%dma_start3A_466] : memref<6656xi32, #tpu.memory_space<vmem>> -> memref<256xi32, #tpu.memory_space<vmem>>
    %dma_start3A_468 = tpu.memref_slice %arg2[%add3A_462] : memref<425984xi32, #tpu.memory_space<hbm>> -> memref<256xi32, #tpu.memory_space<hbm>>
    tpu.enqueue_dma source(%dma_start3A_468 : memref<256xi32, #tpu.memory_space<hbm>>) target(%dma_start3A_467 : memref<256xi32, #tpu.memory_space<vmem>>) target_semaphore(%arg13 : memref<!tpu.dma_semaphore, #tpu.memory_space<semaphore_mem>>)
    %add3A_469 = arith.constant 81920 : i32
    %add3A_470 = arith.addi %add3A_469, %mul3A_2 : i32
    %add3A_471 = arith.constant 256 : i32
    %add3A_472 = arith.addi %add3A_470, %add3A_471 : i32
    %dma_start3A_473 = arith.constant 1280 : i32
    %dma_start3A_474 = tpu.memref_slice %arg7[%dma_start3A_473] : memref<6656xi32, #tpu.memory_space<vmem>> -> memref<256xi32, #tpu.memory_space<vmem>>
    %dma_start3A_475 = tpu.memref_slice %arg2[%add3A_472] : memref<425984xi32, #tpu.memory_space<hbm>> -> memref<256xi32, #tpu.memory_space<hbm>>
    %dma_start3A_476 = arith.constant 1280 : i32
    %dma_start3A_477 = tpu.memref_slice %arg7[%dma_start3A_476] : memref<6656xi32, #tpu.memory_space<vmem>> -> memref<256xi32, #tpu.memory_space<vmem>>
    %dma_start3A_478 = tpu.memref_slice %arg2[%add3A_472] : memref<425984xi32, #tpu.memory_space<hbm>> -> memref<256xi32, #tpu.memory_space<hbm>>
    tpu.enqueue_dma source(%dma_start3A_478 : memref<256xi32, #tpu.memory_space<hbm>>) target(%dma_start3A_477 : memref<256xi32, #tpu.memory_space<vmem>>) target_semaphore(%arg13 : memref<!tpu.dma_semaphore, #tpu.memory_space<semaphore_mem>>)
    %add3A_479 = arith.constant 98304 : i32
    %add3A_480 = arith.addi %add3A_479, %mul3A_2 : i32
    %add3A_481 = arith.constant 256 : i32
    %add3A_482 = arith.addi %add3A_480, %add3A_481 : i32
    %dma_start3A_483 = arith.constant 1536 : i32
    %dma_start3A_484 = tpu.memref_slice %arg7[%dma_start3A_483] : memref<6656xi32, #tpu.memory_space<vmem>> -> memref<256xi32, #tpu.memory_space<vmem>>
    %dma_start3A_485 = tpu.memref_slice %arg2[%add3A_482] : memref<425984xi32, #tpu.memory_space<hbm>> -> memref<256xi32, #tpu.memory_space<hbm>>
    %dma_start3A_486 = arith.constant 1536 : i32
    %dma_start3A_487 = tpu.memref_slice %arg7[%dma_start3A_486] : memref<6656xi32, #tpu.memory_space<vmem>> -> memref<256xi32, #tpu.memory_space<vmem>>
    %dma_start3A_488 = tpu.memref_slice %arg2[%add3A_482] : memref<425984xi32, #tpu.memory_space<hbm>> -> memref<256xi32, #tpu.memory_space<hbm>>
    tpu.enqueue_dma source(%dma_start3A_488 : memref<256xi32, #tpu.memory_space<hbm>>) target(%dma_start3A_487 : memref<256xi32, #tpu.memory_space<vmem>>) target_semaphore(%arg13 : memref<!tpu.dma_semaphore, #tpu.memory_space<semaphore_mem>>)
    %add3A_489 = arith.constant 114688 : i32
    %add3A_490 = arith.addi %add3A_489, %mul3A_2 : i32
    %add3A_491 = arith.constant 256 : i32
    %add3A_492 = arith.addi %add3A_490, %add3A_491 : i32
    %dma_start3A_493 = arith.constant 1792 : i32
    %dma_start3A_494 = tpu.memref_slice %arg7[%dma_start3A_493] : memref<6656xi32, #tpu.memory_space<vmem>> -> memref<256xi32, #tpu.memory_space<vmem>>
    %dma_start3A_495 = tpu.memref_slice %arg2[%add3A_492] : memref<425984xi32, #tpu.memory_space<hbm>> -> memref<256xi32, #tpu.memory_space<hbm>>
    %dma_start3A_496 = arith.constant 1792 : i32
    %dma_start3A_497 = tpu.memref_slice %arg7[%dma_start3A_496] : memref<6656xi32, #tpu.memory_space<vmem>> -> memref<256xi32, #tpu.memory_space<vmem>>
    %dma_start3A_498 = tpu.memref_slice %arg2[%add3A_492] : memref<425984xi32, #tpu.memory_space<hbm>> -> memref<256xi32, #tpu.memory_space<hbm>>
    tpu.enqueue_dma source(%dma_start3A_498 : memref<256xi32, #tpu.memory_space<hbm>>) target(%dma_start3A_497 : memref<256xi32, #tpu.memory_space<vmem>>) target_semaphore(%arg13 : memref<!tpu.dma_semaphore, #tpu.memory_space<semaphore_mem>>)
    %add3A_499 = arith.constant 131072 : i32
    %add3A_500 = arith.addi %add3A_499, %mul3A_2 : i32
    %add3A_501 = arith.constant 256 : i32
    %add3A_502 = arith.addi %add3A_500, %add3A_501 : i32
    %dma_start3A_503 = arith.constant 2048 : i32
    %dma_start3A_504 = tpu.memref_slice %arg7[%dma_start3A_503] : memref<6656xi32, #tpu.memory_space<vmem>> -> memref<256xi32, #tpu.memory_space<vmem>>
    %dma_start3A_505 = tpu.memref_slice %arg2[%add3A_502] : memref<425984xi32, #tpu.memory_space<hbm>> -> memref<256xi32, #tpu.memory_space<hbm>>
    %dma_start3A_506 = arith.constant 2048 : i32
    %dma_start3A_507 = tpu.memref_slice %arg7[%dma_start3A_506] : memref<6656xi32, #tpu.memory_space<vmem>> -> memref<256xi32, #tpu.memory_space<vmem>>
    %dma_start3A_508 = tpu.memref_slice %arg2[%add3A_502] : memref<425984xi32, #tpu.memory_space<hbm>> -> memref<256xi32, #tpu.memory_space<hbm>>
    tpu.enqueue_dma source(%dma_start3A_508 : memref<256xi32, #tpu.memory_space<hbm>>) target(%dma_start3A_507 : memref<256xi32, #tpu.memory_space<vmem>>) target_semaphore(%arg13 : memref<!tpu.dma_semaphore, #tpu.memory_space<semaphore_mem>>)
    %add3A_509 = arith.constant 147456 : i32
    %add3A_510 = arith.addi %add3A_509, %mul3A_2 : i32
    %add3A_511 = arith.constant 256 : i32
    %add3A_512 = arith.addi %add3A_510, %add3A_511 : i32
    %dma_start3A_513 = arith.constant 2304 : i32
    %dma_start3A_514 = tpu.memref_slice %arg7[%dma_start3A_513] : memref<6656xi32, #tpu.memory_space<vmem>> -> memref<256xi32, #tpu.memory_space<vmem>>
    %dma_start3A_515 = tpu.memref_slice %arg2[%add3A_512] : memref<425984xi32, #tpu.memory_space<hbm>> -> memref<256xi32, #tpu.memory_space<hbm>>
    %dma_start3A_516 = arith.constant 2304 : i32
    %dma_start3A_517 = tpu.memref_slice %arg7[%dma_start3A_516] : memref<6656xi32, #tpu.memory_space<vmem>> -> memref<256xi32, #tpu.memory_space<vmem>>
    %dma_start3A_518 = tpu.memref_slice %arg2[%add3A_512] : memref<425984xi32, #tpu.memory_space<hbm>> -> memref<256xi32, #tpu.memory_space<hbm>>
    tpu.enqueue_dma source(%dma_start3A_518 : memref<256xi32, #tpu.memory_space<hbm>>) target(%dma_start3A_517 : memref<256xi32, #tpu.memory_space<vmem>>) target_semaphore(%arg13 : memref<!tpu.dma_semaphore, #tpu.memory_space<semaphore_mem>>)
    %add3A_519 = arith.constant 163840 : i32
    %add3A_520 = arith.addi %add3A_519, %mul3A_2 : i32
    %add3A_521 = arith.constant 256 : i32
    %add3A_522 = arith.addi %add3A_520, %add3A_521 : i32
    %dma_start3A_523 = arith.constant 2560 : i32
    %dma_start3A_524 = tpu.memref_slice %arg7[%dma_start3A_523] : memref<6656xi32, #tpu.memory_space<vmem>> -> memref<256xi32, #tpu.memory_space<vmem>>
    %dma_start3A_525 = tpu.memref_slice %arg2[%add3A_522] : memref<425984xi32, #tpu.memory_space<hbm>> -> memref<256xi32, #tpu.memory_space<hbm>>
    %dma_start3A_526 = arith.constant 2560 : i32
    %dma_start3A_527 = tpu.memref_slice %arg7[%dma_start3A_526] : memref<6656xi32, #tpu.memory_space<vmem>> -> memref<256xi32, #tpu.memory_space<vmem>>
    %dma_start3A_528 = tpu.memref_slice %arg2[%add3A_522] : memref<425984xi32, #tpu.memory_space<hbm>> -> memref<256xi32, #tpu.memory_space<hbm>>
    tpu.enqueue_dma source(%dma_start3A_528 : memref<256xi32, #tpu.memory_space<hbm>>) target(%dma_start3A_527 : memref<256xi32, #tpu.memory_space<vmem>>) target_semaphore(%arg13 : memref<!tpu.dma_semaphore, #tpu.memory_space<semaphore_mem>>)
    %add3A_529 = arith.constant 180224 : i32
    %add3A_530 = arith.addi %add3A_529, %mul3A_2 : i32
    %add3A_531 = arith.constant 256 : i32
    %add3A_532 = arith.addi %add3A_530, %add3A_531 : i32
    %dma_start3A_533 = arith.constant 2816 : i32
    %dma_start3A_534 = tpu.memref_slice %arg7[%dma_start3A_533] : memref<6656xi32, #tpu.memory_space<vmem>> -> memref<256xi32, #tpu.memory_space<vmem>>
    %dma_start3A_535 = tpu.memref_slice %arg2[%add3A_532] : memref<425984xi32, #tpu.memory_space<hbm>> -> memref<256xi32, #tpu.memory_space<hbm>>
    %dma_start3A_536 = arith.constant 2816 : i32
    %dma_start3A_537 = tpu.memref_slice %arg7[%dma_start3A_536] : memref<6656xi32, #tpu.memory_space<vmem>> -> memref<256xi32, #tpu.memory_space<vmem>>
    %dma_start3A_538 = tpu.memref_slice %arg2[%add3A_532] : memref<425984xi32, #tpu.memory_space<hbm>> -> memref<256xi32, #tpu.memory_space<hbm>>
    tpu.enqueue_dma source(%dma_start3A_538 : memref<256xi32, #tpu.memory_space<hbm>>) target(%dma_start3A_537 : memref<256xi32, #tpu.memory_space<vmem>>) target_semaphore(%arg13 : memref<!tpu.dma_semaphore, #tpu.memory_space<semaphore_mem>>)
    %add3A_539 = arith.constant 196608 : i32
    %add3A_540 = arith.addi %add3A_539, %mul3A_2 : i32
    %add3A_541 = arith.constant 256 : i32
    %add3A_542 = arith.addi %add3A_540, %add3A_541 : i32
    %dma_start3A_543 = arith.constant 3072 : i32
    %dma_start3A_544 = tpu.memref_slice %arg7[%dma_start3A_543] : memref<6656xi32, #tpu.memory_space<vmem>> -> memref<256xi32, #tpu.memory_space<vmem>>
    %dma_start3A_545 = tpu.memref_slice %arg2[%add3A_542] : memref<425984xi32, #tpu.memory_space<hbm>> -> memref<256xi32, #tpu.memory_space<hbm>>
    %dma_start3A_546 = arith.constant 3072 : i32
    %dma_start3A_547 = tpu.memref_slice %arg7[%dma_start3A_546] : memref<6656xi32, #tpu.memory_space<vmem>> -> memref<256xi32, #tpu.memory_space<vmem>>
    %dma_start3A_548 = tpu.memref_slice %arg2[%add3A_542] : memref<425984xi32, #tpu.memory_space<hbm>> -> memref<256xi32, #tpu.memory_space<hbm>>
    tpu.enqueue_dma source(%dma_start3A_548 : memref<256xi32, #tpu.memory_space<hbm>>) target(%dma_start3A_547 : memref<256xi32, #tpu.memory_space<vmem>>) target_semaphore(%arg13 : memref<!tpu.dma_semaphore, #tpu.memory_space<semaphore_mem>>)
    %add3A_549 = arith.constant 212992 : i32
    %add3A_550 = arith.addi %add3A_549, %mul3A_2 : i32
    %add3A_551 = arith.constant 256 : i32
    %add3A_552 = arith.addi %add3A_550, %add3A_551 : i32
    %dma_start3A_553 = arith.constant 3328 : i32
    %dma_start3A_554 = tpu.memref_slice %arg7[%dma_start3A_553] : memref<6656xi32, #tpu.memory_space<vmem>> -> memref<256xi32, #tpu.memory_space<vmem>>
    %dma_start3A_555 = tpu.memref_slice %arg2[%add3A_552] : memref<425984xi32, #tpu.memory_space<hbm>> -> memref<256xi32, #tpu.memory_space<hbm>>
    %dma_start3A_556 = arith.constant 3328 : i32
    %dma_start3A_557 = tpu.memref_slice %arg7[%dma_start3A_556] : memref<6656xi32, #tpu.memory_space<vmem>> -> memref<256xi32, #tpu.memory_space<vmem>>
    %dma_start3A_558 = tpu.memref_slice %arg2[%add3A_552] : memref<425984xi32, #tpu.memory_space<hbm>> -> memref<256xi32, #tpu.memory_space<hbm>>
    tpu.enqueue_dma source(%dma_start3A_558 : memref<256xi32, #tpu.memory_space<hbm>>) target(%dma_start3A_557 : memref<256xi32, #tpu.memory_space<vmem>>) target_semaphore(%arg13 : memref<!tpu.dma_semaphore, #tpu.memory_space<semaphore_mem>>)
    %add3A_559 = arith.constant 229376 : i32
    %add3A_560 = arith.addi %add3A_559, %mul3A_2 : i32
    %add3A_561 = arith.constant 256 : i32
    %add3A_562 = arith.addi %add3A_560, %add3A_561 : i32
    %dma_start3A_563 = arith.constant 3584 : i32
    %dma_start3A_564 = tpu.memref_slice %arg7[%dma_start3A_563] : memref<6656xi32, #tpu.memory_space<vmem>> -> memref<256xi32, #tpu.memory_space<vmem>>
    %dma_start3A_565 = tpu.memref_slice %arg2[%add3A_562] : memref<425984xi32, #tpu.memory_space<hbm>> -> memref<256xi32, #tpu.memory_space<hbm>>
    %dma_start3A_566 = arith.constant 3584 : i32
    %dma_start3A_567 = tpu.memref_slice %arg7[%dma_start3A_566] : memref<6656xi32, #tpu.memory_space<vmem>> -> memref<256xi32, #tpu.memory_space<vmem>>
    %dma_start3A_568 = tpu.memref_slice %arg2[%add3A_562] : memref<425984xi32, #tpu.memory_space<hbm>> -> memref<256xi32, #tpu.memory_space<hbm>>
    tpu.enqueue_dma source(%dma_start3A_568 : memref<256xi32, #tpu.memory_space<hbm>>) target(%dma_start3A_567 : memref<256xi32, #tpu.memory_space<vmem>>) target_semaphore(%arg13 : memref<!tpu.dma_semaphore, #tpu.memory_space<semaphore_mem>>)
    %add3A_569 = arith.constant 245760 : i32
    %add3A_570 = arith.addi %add3A_569, %mul3A_2 : i32
    %add3A_571 = arith.constant 256 : i32
    %add3A_572 = arith.addi %add3A_570, %add3A_571 : i32
    %dma_start3A_573 = arith.constant 3840 : i32
    %dma_start3A_574 = tpu.memref_slice %arg7[%dma_start3A_573] : memref<6656xi32, #tpu.memory_space<vmem>> -> memref<256xi32, #tpu.memory_space<vmem>>
    %dma_start3A_575 = tpu.memref_slice %arg2[%add3A_572] : memref<425984xi32, #tpu.memory_space<hbm>> -> memref<256xi32, #tpu.memory_space<hbm>>
    %dma_start3A_576 = arith.constant 3840 : i32
    %dma_start3A_577 = tpu.memref_slice %arg7[%dma_start3A_576] : memref<6656xi32, #tpu.memory_space<vmem>> -> memref<256xi32, #tpu.memory_space<vmem>>
    %dma_start3A_578 = tpu.memref_slice %arg2[%add3A_572] : memref<425984xi32, #tpu.memory_space<hbm>> -> memref<256xi32, #tpu.memory_space<hbm>>
    tpu.enqueue_dma source(%dma_start3A_578 : memref<256xi32, #tpu.memory_space<hbm>>) target(%dma_start3A_577 : memref<256xi32, #tpu.memory_space<vmem>>) target_semaphore(%arg13 : memref<!tpu.dma_semaphore, #tpu.memory_space<semaphore_mem>>)
    %add3A_579 = arith.constant 262144 : i32
    %add3A_580 = arith.addi %add3A_579, %mul3A_2 : i32
    %add3A_581 = arith.constant 256 : i32
    %add3A_582 = arith.addi %add3A_580, %add3A_581 : i32
    %dma_start3A_583 = arith.constant 4096 : i32
    %dma_start3A_584 = tpu.memref_slice %arg7[%dma_start3A_583] : memref<6656xi32, #tpu.memory_space<vmem>> -> memref<256xi32, #tpu.memory_space<vmem>>
    %dma_start3A_585 = tpu.memref_slice %arg2[%add3A_582] : memref<425984xi32, #tpu.memory_space<hbm>> -> memref<256xi32, #tpu.memory_space<hbm>>
    %dma_start3A_586 = arith.constant 4096 : i32
    %dma_start3A_587 = tpu.memref_slice %arg7[%dma_start3A_586] : memref<6656xi32, #tpu.memory_space<vmem>> -> memref<256xi32, #tpu.memory_space<vmem>>
    %dma_start3A_588 = tpu.memref_slice %arg2[%add3A_582] : memref<425984xi32, #tpu.memory_space<hbm>> -> memref<256xi32, #tpu.memory_space<hbm>>
    tpu.enqueue_dma source(%dma_start3A_588 : memref<256xi32, #tpu.memory_space<hbm>>) target(%dma_start3A_587 : memref<256xi32, #tpu.memory_space<vmem>>) target_semaphore(%arg13 : memref<!tpu.dma_semaphore, #tpu.memory_space<semaphore_mem>>)
    %add3A_589 = arith.constant 278528 : i32
    %add3A_590 = arith.addi %add3A_589, %mul3A_2 : i32
    %add3A_591 = arith.constant 256 : i32
    %add3A_592 = arith.addi %add3A_590, %add3A_591 : i32
    %dma_start3A_593 = arith.constant 4352 : i32
    %dma_start3A_594 = tpu.memref_slice %arg7[%dma_start3A_593] : memref<6656xi32, #tpu.memory_space<vmem>> -> memref<256xi32, #tpu.memory_space<vmem>>
    %dma_start3A_595 = tpu.memref_slice %arg2[%add3A_592] : memref<425984xi32, #tpu.memory_space<hbm>> -> memref<256xi32, #tpu.memory_space<hbm>>
    %dma_start3A_596 = arith.constant 4352 : i32
    %dma_start3A_597 = tpu.memref_slice %arg7[%dma_start3A_596] : memref<6656xi32, #tpu.memory_space<vmem>> -> memref<256xi32, #tpu.memory_space<vmem>>
    %dma_start3A_598 = tpu.memref_slice %arg2[%add3A_592] : memref<425984xi32, #tpu.memory_space<hbm>> -> memref<256xi32, #tpu.memory_space<hbm>>
    tpu.enqueue_dma source(%dma_start3A_598 : memref<256xi32, #tpu.memory_space<hbm>>) target(%dma_start3A_597 : memref<256xi32, #tpu.memory_space<vmem>>) target_semaphore(%arg13 : memref<!tpu.dma_semaphore, #tpu.memory_space<semaphore_mem>>)
    %add3A_599 = arith.constant 294912 : i32
    %add3A_600 = arith.addi %add3A_599, %mul3A_2 : i32
    %add3A_601 = arith.constant 256 : i32
    %add3A_602 = arith.addi %add3A_600, %add3A_601 : i32
    %dma_start3A_603 = arith.constant 4608 : i32
    %dma_start3A_604 = tpu.memref_slice %arg7[%dma_start3A_603] : memref<6656xi32, #tpu.memory_space<vmem>> -> memref<256xi32, #tpu.memory_space<vmem>>
    %dma_start3A_605 = tpu.memref_slice %arg2[%add3A_602] : memref<425984xi32, #tpu.memory_space<hbm>> -> memref<256xi32, #tpu.memory_space<hbm>>
    %dma_start3A_606 = arith.constant 4608 : i32
    %dma_start3A_607 = tpu.memref_slice %arg7[%dma_start3A_606] : memref<6656xi32, #tpu.memory_space<vmem>> -> memref<256xi32, #tpu.memory_space<vmem>>
    %dma_start3A_608 = tpu.memref_slice %arg2[%add3A_602] : memref<425984xi32, #tpu.memory_space<hbm>> -> memref<256xi32, #tpu.memory_space<hbm>>
    tpu.enqueue_dma source(%dma_start3A_608 : memref<256xi32, #tpu.memory_space<hbm>>) target(%dma_start3A_607 : memref<256xi32, #tpu.memory_space<vmem>>) target_semaphore(%arg13 : memref<!tpu.dma_semaphore, #tpu.memory_space<semaphore_mem>>)
    %add3A_609 = arith.constant 311296 : i32
    %add3A_610 = arith.addi %add3A_609, %mul3A_2 : i32
    %add3A_611 = arith.constant 256 : i32
    %add3A_612 = arith.addi %add3A_610, %add3A_611 : i32
    %dma_start3A_613 = arith.constant 4864 : i32
    %dma_start3A_614 = tpu.memref_slice %arg7[%dma_start3A_613] : memref<6656xi32, #tpu.memory_space<vmem>> -> memref<256xi32, #tpu.memory_space<vmem>>
    %dma_start3A_615 = tpu.memref_slice %arg2[%add3A_612] : memref<425984xi32, #tpu.memory_space<hbm>> -> memref<256xi32, #tpu.memory_space<hbm>>
    %dma_start3A_616 = arith.constant 4864 : i32
    %dma_start3A_617 = tpu.memref_slice %arg7[%dma_start3A_616] : memref<6656xi32, #tpu.memory_space<vmem>> -> memref<256xi32, #tpu.memory_space<vmem>>
    %dma_start3A_618 = tpu.memref_slice %arg2[%add3A_612] : memref<425984xi32, #tpu.memory_space<hbm>> -> memref<256xi32, #tpu.memory_space<hbm>>
    tpu.enqueue_dma source(%dma_start3A_618 : memref<256xi32, #tpu.memory_space<hbm>>) target(%dma_start3A_617 : memref<256xi32, #tpu.memory_space<vmem>>) target_semaphore(%arg13 : memref<!tpu.dma_semaphore, #tpu.memory_space<semaphore_mem>>)
    %add3A_619 = arith.constant 327680 : i32
    %add3A_620 = arith.addi %add3A_619, %mul3A_2 : i32
    %add3A_621 = arith.constant 256 : i32
    %add3A_622 = arith.addi %add3A_620, %add3A_621 : i32
    %dma_start3A_623 = arith.constant 5120 : i32
    %dma_start3A_624 = tpu.memref_slice %arg7[%dma_start3A_623] : memref<6656xi32, #tpu.memory_space<vmem>> -> memref<256xi32, #tpu.memory_space<vmem>>
    %dma_start3A_625 = tpu.memref_slice %arg2[%add3A_622] : memref<425984xi32, #tpu.memory_space<hbm>> -> memref<256xi32, #tpu.memory_space<hbm>>
    %dma_start3A_626 = arith.constant 5120 : i32
    %dma_start3A_627 = tpu.memref_slice %arg7[%dma_start3A_626] : memref<6656xi32, #tpu.memory_space<vmem>> -> memref<256xi32, #tpu.memory_space<vmem>>
    %dma_start3A_628 = tpu.memref_slice %arg2[%add3A_622] : memref<425984xi32, #tpu.memory_space<hbm>> -> memref<256xi32, #tpu.memory_space<hbm>>
    tpu.enqueue_dma source(%dma_start3A_628 : memref<256xi32, #tpu.memory_space<hbm>>) target(%dma_start3A_627 : memref<256xi32, #tpu.memory_space<vmem>>) target_semaphore(%arg13 : memref<!tpu.dma_semaphore, #tpu.memory_space<semaphore_mem>>)
    %add3A_629 = arith.constant 344064 : i32
    %add3A_630 = arith.addi %add3A_629, %mul3A_2 : i32
    %add3A_631 = arith.constant 256 : i32
    %add3A_632 = arith.addi %add3A_630, %add3A_631 : i32
    %dma_start3A_633 = arith.constant 5376 : i32
    %dma_start3A_634 = tpu.memref_slice %arg7[%dma_start3A_633] : memref<6656xi32, #tpu.memory_space<vmem>> -> memref<256xi32, #tpu.memory_space<vmem>>
    %dma_start3A_635 = tpu.memref_slice %arg2[%add3A_632] : memref<425984xi32, #tpu.memory_space<hbm>> -> memref<256xi32, #tpu.memory_space<hbm>>
    %dma_start3A_636 = arith.constant 5376 : i32
    %dma_start3A_637 = tpu.memref_slice %arg7[%dma_start3A_636] : memref<6656xi32, #tpu.memory_space<vmem>> -> memref<256xi32, #tpu.memory_space<vmem>>
    %dma_start3A_638 = tpu.memref_slice %arg2[%add3A_632] : memref<425984xi32, #tpu.memory_space<hbm>> -> memref<256xi32, #tpu.memory_space<hbm>>
    tpu.enqueue_dma source(%dma_start3A_638 : memref<256xi32, #tpu.memory_space<hbm>>) target(%dma_start3A_637 : memref<256xi32, #tpu.memory_space<vmem>>) target_semaphore(%arg13 : memref<!tpu.dma_semaphore, #tpu.memory_space<semaphore_mem>>)
    %add3A_639 = arith.constant 360448 : i32
    %add3A_640 = arith.addi %add3A_639, %mul3A_2 : i32
    %add3A_641 = arith.constant 256 : i32
    %add3A_642 = arith.addi %add3A_640, %add3A_641 : i32
    %dma_start3A_643 = arith.constant 5632 : i32
    %dma_start3A_644 = tpu.memref_slice %arg7[%dma_start3A_643] : memref<6656xi32, #tpu.memory_space<vmem>> -> memref<256xi32, #tpu.memory_space<vmem>>
    %dma_start3A_645 = tpu.memref_slice %arg2[%add3A_642] : memref<425984xi32, #tpu.memory_space<hbm>> -> memref<256xi32, #tpu.memory_space<hbm>>
    %dma_start3A_646 = arith.constant 5632 : i32
    %dma_start3A_647 = tpu.memref_slice %arg7[%dma_start3A_646] : memref<6656xi32, #tpu.memory_space<vmem>> -> memref<256xi32, #tpu.memory_space<vmem>>
    %dma_start3A_648 = tpu.memref_slice %arg2[%add3A_642] : memref<425984xi32, #tpu.memory_space<hbm>> -> memref<256xi32, #tpu.memory_space<hbm>>
    tpu.enqueue_dma source(%dma_start3A_648 : memref<256xi32, #tpu.memory_space<hbm>>) target(%dma_start3A_647 : memref<256xi32, #tpu.memory_space<vmem>>) target_semaphore(%arg13 : memref<!tpu.dma_semaphore, #tpu.memory_space<semaphore_mem>>)
    %add3A_649 = arith.constant 376832 : i32
    %add3A_650 = arith.addi %add3A_649, %mul3A_2 : i32
    %add3A_651 = arith.constant 256 : i32
    %add3A_652 = arith.addi %add3A_650, %add3A_651 : i32
    %dma_start3A_653 = arith.constant 5888 : i32
    %dma_start3A_654 = tpu.memref_slice %arg7[%dma_start3A_653] : memref<6656xi32, #tpu.memory_space<vmem>> -> memref<256xi32, #tpu.memory_space<vmem>>
    %dma_start3A_655 = tpu.memref_slice %arg2[%add3A_652] : memref<425984xi32, #tpu.memory_space<hbm>> -> memref<256xi32, #tpu.memory_space<hbm>>
    %dma_start3A_656 = arith.constant 5888 : i32
    %dma_start3A_657 = tpu.memref_slice %arg7[%dma_start3A_656] : memref<6656xi32, #tpu.memory_space<vmem>> -> memref<256xi32, #tpu.memory_space<vmem>>
    %dma_start3A_658 = tpu.memref_slice %arg2[%add3A_652] : memref<425984xi32, #tpu.memory_space<hbm>> -> memref<256xi32, #tpu.memory_space<hbm>>
    tpu.enqueue_dma source(%dma_start3A_658 : memref<256xi32, #tpu.memory_space<hbm>>) target(%dma_start3A_657 : memref<256xi32, #tpu.memory_space<vmem>>) target_semaphore(%arg13 : memref<!tpu.dma_semaphore, #tpu.memory_space<semaphore_mem>>)
    %add3A_659 = arith.constant 393216 : i32
    %add3A_660 = arith.addi %add3A_659, %mul3A_2 : i32
    %add3A_661 = arith.constant 256 : i32
    %add3A_662 = arith.addi %add3A_660, %add3A_661 : i32
    %dma_start3A_663 = arith.constant 6144 : i32
    %dma_start3A_664 = tpu.memref_slice %arg7[%dma_start3A_663] : memref<6656xi32, #tpu.memory_space<vmem>> -> memref<256xi32, #tpu.memory_space<vmem>>
    %dma_start3A_665 = tpu.memref_slice %arg2[%add3A_662] : memref<425984xi32, #tpu.memory_space<hbm>> -> memref<256xi32, #tpu.memory_space<hbm>>
    %dma_start3A_666 = arith.constant 6144 : i32
    %dma_start3A_667 = tpu.memref_slice %arg7[%dma_start3A_666] : memref<6656xi32, #tpu.memory_space<vmem>> -> memref<256xi32, #tpu.memory_space<vmem>>
    %dma_start3A_668 = tpu.memref_slice %arg2[%add3A_662] : memref<425984xi32, #tpu.memory_space<hbm>> -> memref<256xi32, #tpu.memory_space<hbm>>
    tpu.enqueue_dma source(%dma_start3A_668 : memref<256xi32, #tpu.memory_space<hbm>>) target(%dma_start3A_667 : memref<256xi32, #tpu.memory_space<vmem>>) target_semaphore(%arg13 : memref<!tpu.dma_semaphore, #tpu.memory_space<semaphore_mem>>)
    %add3A_669 = arith.constant 409600 : i32
    %add3A_670 = arith.addi %add3A_669, %mul3A_2 : i32
    %add3A_671 = arith.constant 256 : i32
    %add3A_672 = arith.addi %add3A_670, %add3A_671 : i32
    %dma_start3A_673 = arith.constant 6400 : i32
    %dma_start3A_674 = tpu.memref_slice %arg7[%dma_start3A_673] : memref<6656xi32, #tpu.memory_space<vmem>> -> memref<256xi32, #tpu.memory_space<vmem>>
    %dma_start3A_675 = tpu.memref_slice %arg2[%add3A_672] : memref<425984xi32, #tpu.memory_space<hbm>> -> memref<256xi32, #tpu.memory_space<hbm>>
    %dma_start3A_676 = arith.constant 6400 : i32
    %dma_start3A_677 = tpu.memref_slice %arg7[%dma_start3A_676] : memref<6656xi32, #tpu.memory_space<vmem>> -> memref<256xi32, #tpu.memory_space<vmem>>
    %dma_start3A_678 = tpu.memref_slice %arg2[%add3A_672] : memref<425984xi32, #tpu.memory_space<hbm>> -> memref<256xi32, #tpu.memory_space<hbm>>
    tpu.enqueue_dma source(%dma_start3A_678 : memref<256xi32, #tpu.memory_space<hbm>>) target(%dma_start3A_677 : memref<256xi32, #tpu.memory_space<vmem>>) target_semaphore(%arg13 : memref<!tpu.dma_semaphore, #tpu.memory_space<semaphore_mem>>)
    %dma_wait3A_679 = arith.constant 0 : i32
    %dma_wait3A_680 = tpu.memref_slice %arg3[%dma_wait3A_679] : memref<1040384xf32, #tpu.memory_space<hbm>> -> memref<1040384xf32, #tpu.memory_space<hbm>>
    tpu.wait_indirect_dma semaphore(%arg14 : memref<!tpu.dma_semaphore, #tpu.memory_space<semaphore_mem>>) src(%dma_wait3A_680 : memref<1040384xf32, #tpu.memory_space<hbm>>) dst(%arg8 : memref<6656xf32, #tpu.memory_space<vmem>>)
    %dma_wait3A_681 = arith.constant 0 : i32
    %dma_wait3A_682 = tpu.memref_slice %arg7[%dma_wait3A_681] : memref<6656xi32, #tpu.memory_space<vmem>> -> memref<256xi32, #tpu.memory_space<vmem>>
    %dma_wait3A_683 = tpu.memref_slice %arg2[%add3A_422] : memref<425984xi32, #tpu.memory_space<hbm>> -> memref<256xi32, #tpu.memory_space<hbm>>
    %dma_wait3A_684 = arith.constant 0 : i32
    %dma_wait3A_685 = tpu.memref_slice %arg7[%dma_wait3A_684] : memref<6656xi32, #tpu.memory_space<vmem>> -> memref<256xi32, #tpu.memory_space<vmem>>
    %dma_wait3A_686 = tpu.memref_slice %arg2[%add3A_422] : memref<425984xi32, #tpu.memory_space<hbm>> -> memref<256xi32, #tpu.memory_space<hbm>>
    tpu.wait_dma2 semaphore(%arg13 : memref<!tpu.dma_semaphore, #tpu.memory_space<semaphore_mem>>) src(%dma_wait3A_686 : memref<256xi32, #tpu.memory_space<hbm>>) dst(%dma_wait3A_685 : memref<256xi32, #tpu.memory_space<vmem>>)
    %dma_wait3A_687 = arith.constant 256 : i32
    %dma_wait3A_688 = tpu.memref_slice %arg7[%dma_wait3A_687] : memref<6656xi32, #tpu.memory_space<vmem>> -> memref<256xi32, #tpu.memory_space<vmem>>
    %dma_wait3A_689 = tpu.memref_slice %arg2[%add3A_432] : memref<425984xi32, #tpu.memory_space<hbm>> -> memref<256xi32, #tpu.memory_space<hbm>>
    %dma_wait3A_690 = arith.constant 256 : i32
    %dma_wait3A_691 = tpu.memref_slice %arg7[%dma_wait3A_690] : memref<6656xi32, #tpu.memory_space<vmem>> -> memref<256xi32, #tpu.memory_space<vmem>>
    %dma_wait3A_692 = tpu.memref_slice %arg2[%add3A_432] : memref<425984xi32, #tpu.memory_space<hbm>> -> memref<256xi32, #tpu.memory_space<hbm>>
    tpu.wait_dma2 semaphore(%arg13 : memref<!tpu.dma_semaphore, #tpu.memory_space<semaphore_mem>>) src(%dma_wait3A_692 : memref<256xi32, #tpu.memory_space<hbm>>) dst(%dma_wait3A_691 : memref<256xi32, #tpu.memory_space<vmem>>)
    %dma_wait3A_693 = arith.constant 512 : i32
    %dma_wait3A_694 = tpu.memref_slice %arg7[%dma_wait3A_693] : memref<6656xi32, #tpu.memory_space<vmem>> -> memref<256xi32, #tpu.memory_space<vmem>>
    %dma_wait3A_695 = tpu.memref_slice %arg2[%add3A_442] : memref<425984xi32, #tpu.memory_space<hbm>> -> memref<256xi32, #tpu.memory_space<hbm>>
    %dma_wait3A_696 = arith.constant 512 : i32
    %dma_wait3A_697 = tpu.memref_slice %arg7[%dma_wait3A_696] : memref<6656xi32, #tpu.memory_space<vmem>> -> memref<256xi32, #tpu.memory_space<vmem>>
    %dma_wait3A_698 = tpu.memref_slice %arg2[%add3A_442] : memref<425984xi32, #tpu.memory_space<hbm>> -> memref<256xi32, #tpu.memory_space<hbm>>
    tpu.wait_dma2 semaphore(%arg13 : memref<!tpu.dma_semaphore, #tpu.memory_space<semaphore_mem>>) src(%dma_wait3A_698 : memref<256xi32, #tpu.memory_space<hbm>>) dst(%dma_wait3A_697 : memref<256xi32, #tpu.memory_space<vmem>>)
    %dma_wait3A_699 = arith.constant 768 : i32
    %dma_wait3A_700 = tpu.memref_slice %arg7[%dma_wait3A_699] : memref<6656xi32, #tpu.memory_space<vmem>> -> memref<256xi32, #tpu.memory_space<vmem>>
    %dma_wait3A_701 = tpu.memref_slice %arg2[%add3A_452] : memref<425984xi32, #tpu.memory_space<hbm>> -> memref<256xi32, #tpu.memory_space<hbm>>
    %dma_wait3A_702 = arith.constant 768 : i32
    %dma_wait3A_703 = tpu.memref_slice %arg7[%dma_wait3A_702] : memref<6656xi32, #tpu.memory_space<vmem>> -> memref<256xi32, #tpu.memory_space<vmem>>
    %dma_wait3A_704 = tpu.memref_slice %arg2[%add3A_452] : memref<425984xi32, #tpu.memory_space<hbm>> -> memref<256xi32, #tpu.memory_space<hbm>>
    tpu.wait_dma2 semaphore(%arg13 : memref<!tpu.dma_semaphore, #tpu.memory_space<semaphore_mem>>) src(%dma_wait3A_704 : memref<256xi32, #tpu.memory_space<hbm>>) dst(%dma_wait3A_703 : memref<256xi32, #tpu.memory_space<vmem>>)
    %dma_wait3A_705 = arith.constant 1024 : i32
    %dma_wait3A_706 = tpu.memref_slice %arg7[%dma_wait3A_705] : memref<6656xi32, #tpu.memory_space<vmem>> -> memref<256xi32, #tpu.memory_space<vmem>>
    %dma_wait3A_707 = tpu.memref_slice %arg2[%add3A_462] : memref<425984xi32, #tpu.memory_space<hbm>> -> memref<256xi32, #tpu.memory_space<hbm>>
    %dma_wait3A_708 = arith.constant 1024 : i32
    %dma_wait3A_709 = tpu.memref_slice %arg7[%dma_wait3A_708] : memref<6656xi32, #tpu.memory_space<vmem>> -> memref<256xi32, #tpu.memory_space<vmem>>
    %dma_wait3A_710 = tpu.memref_slice %arg2[%add3A_462] : memref<425984xi32, #tpu.memory_space<hbm>> -> memref<256xi32, #tpu.memory_space<hbm>>
    tpu.wait_dma2 semaphore(%arg13 : memref<!tpu.dma_semaphore, #tpu.memory_space<semaphore_mem>>) src(%dma_wait3A_710 : memref<256xi32, #tpu.memory_space<hbm>>) dst(%dma_wait3A_709 : memref<256xi32, #tpu.memory_space<vmem>>)
    %dma_wait3A_711 = arith.constant 1280 : i32
    %dma_wait3A_712 = tpu.memref_slice %arg7[%dma_wait3A_711] : memref<6656xi32, #tpu.memory_space<vmem>> -> memref<256xi32, #tpu.memory_space<vmem>>
    %dma_wait3A_713 = tpu.memref_slice %arg2[%add3A_472] : memref<425984xi32, #tpu.memory_space<hbm>> -> memref<256xi32, #tpu.memory_space<hbm>>
    %dma_wait3A_714 = arith.constant 1280 : i32
    %dma_wait3A_715 = tpu.memref_slice %arg7[%dma_wait3A_714] : memref<6656xi32, #tpu.memory_space<vmem>> -> memref<256xi32, #tpu.memory_space<vmem>>
    %dma_wait3A_716 = tpu.memref_slice %arg2[%add3A_472] : memref<425984xi32, #tpu.memory_space<hbm>> -> memref<256xi32, #tpu.memory_space<hbm>>
    tpu.wait_dma2 semaphore(%arg13 : memref<!tpu.dma_semaphore, #tpu.memory_space<semaphore_mem>>) src(%dma_wait3A_716 : memref<256xi32, #tpu.memory_space<hbm>>) dst(%dma_wait3A_715 : memref<256xi32, #tpu.memory_space<vmem>>)
    %dma_wait3A_717 = arith.constant 1536 : i32
    %dma_wait3A_718 = tpu.memref_slice %arg7[%dma_wait3A_717] : memref<6656xi32, #tpu.memory_space<vmem>> -> memref<256xi32, #tpu.memory_space<vmem>>
    %dma_wait3A_719 = tpu.memref_slice %arg2[%add3A_482] : memref<425984xi32, #tpu.memory_space<hbm>> -> memref<256xi32, #tpu.memory_space<hbm>>
    %dma_wait3A_720 = arith.constant 1536 : i32
    %dma_wait3A_721 = tpu.memref_slice %arg7[%dma_wait3A_720] : memref<6656xi32, #tpu.memory_space<vmem>> -> memref<256xi32, #tpu.memory_space<vmem>>
    %dma_wait3A_722 = tpu.memref_slice %arg2[%add3A_482] : memref<425984xi32, #tpu.memory_space<hbm>> -> memref<256xi32, #tpu.memory_space<hbm>>
    tpu.wait_dma2 semaphore(%arg13 : memref<!tpu.dma_semaphore, #tpu.memory_space<semaphore_mem>>) src(%dma_wait3A_722 : memref<256xi32, #tpu.memory_space<hbm>>) dst(%dma_wait3A_721 : memref<256xi32, #tpu.memory_space<vmem>>)
    %dma_wait3A_723 = arith.constant 1792 : i32
    %dma_wait3A_724 = tpu.memref_slice %arg7[%dma_wait3A_723] : memref<6656xi32, #tpu.memory_space<vmem>> -> memref<256xi32, #tpu.memory_space<vmem>>
    %dma_wait3A_725 = tpu.memref_slice %arg2[%add3A_492] : memref<425984xi32, #tpu.memory_space<hbm>> -> memref<256xi32, #tpu.memory_space<hbm>>
    %dma_wait3A_726 = arith.constant 1792 : i32
    %dma_wait3A_727 = tpu.memref_slice %arg7[%dma_wait3A_726] : memref<6656xi32, #tpu.memory_space<vmem>> -> memref<256xi32, #tpu.memory_space<vmem>>
    %dma_wait3A_728 = tpu.memref_slice %arg2[%add3A_492] : memref<425984xi32, #tpu.memory_space<hbm>> -> memref<256xi32, #tpu.memory_space<hbm>>
    tpu.wait_dma2 semaphore(%arg13 : memref<!tpu.dma_semaphore, #tpu.memory_space<semaphore_mem>>) src(%dma_wait3A_728 : memref<256xi32, #tpu.memory_space<hbm>>) dst(%dma_wait3A_727 : memref<256xi32, #tpu.memory_space<vmem>>)
    %dma_wait3A_729 = arith.constant 2048 : i32
    %dma_wait3A_730 = tpu.memref_slice %arg7[%dma_wait3A_729] : memref<6656xi32, #tpu.memory_space<vmem>> -> memref<256xi32, #tpu.memory_space<vmem>>
    %dma_wait3A_731 = tpu.memref_slice %arg2[%add3A_502] : memref<425984xi32, #tpu.memory_space<hbm>> -> memref<256xi32, #tpu.memory_space<hbm>>
    %dma_wait3A_732 = arith.constant 2048 : i32
    %dma_wait3A_733 = tpu.memref_slice %arg7[%dma_wait3A_732] : memref<6656xi32, #tpu.memory_space<vmem>> -> memref<256xi32, #tpu.memory_space<vmem>>
    %dma_wait3A_734 = tpu.memref_slice %arg2[%add3A_502] : memref<425984xi32, #tpu.memory_space<hbm>> -> memref<256xi32, #tpu.memory_space<hbm>>
    tpu.wait_dma2 semaphore(%arg13 : memref<!tpu.dma_semaphore, #tpu.memory_space<semaphore_mem>>) src(%dma_wait3A_734 : memref<256xi32, #tpu.memory_space<hbm>>) dst(%dma_wait3A_733 : memref<256xi32, #tpu.memory_space<vmem>>)
    %dma_wait3A_735 = arith.constant 2304 : i32
    %dma_wait3A_736 = tpu.memref_slice %arg7[%dma_wait3A_735] : memref<6656xi32, #tpu.memory_space<vmem>> -> memref<256xi32, #tpu.memory_space<vmem>>
    %dma_wait3A_737 = tpu.memref_slice %arg2[%add3A_512] : memref<425984xi32, #tpu.memory_space<hbm>> -> memref<256xi32, #tpu.memory_space<hbm>>
    %dma_wait3A_738 = arith.constant 2304 : i32
    %dma_wait3A_739 = tpu.memref_slice %arg7[%dma_wait3A_738] : memref<6656xi32, #tpu.memory_space<vmem>> -> memref<256xi32, #tpu.memory_space<vmem>>
    %dma_wait3A_740 = tpu.memref_slice %arg2[%add3A_512] : memref<425984xi32, #tpu.memory_space<hbm>> -> memref<256xi32, #tpu.memory_space<hbm>>
    tpu.wait_dma2 semaphore(%arg13 : memref<!tpu.dma_semaphore, #tpu.memory_space<semaphore_mem>>) src(%dma_wait3A_740 : memref<256xi32, #tpu.memory_space<hbm>>) dst(%dma_wait3A_739 : memref<256xi32, #tpu.memory_space<vmem>>)
    %dma_wait3A_741 = arith.constant 2560 : i32
    %dma_wait3A_742 = tpu.memref_slice %arg7[%dma_wait3A_741] : memref<6656xi32, #tpu.memory_space<vmem>> -> memref<256xi32, #tpu.memory_space<vmem>>
    %dma_wait3A_743 = tpu.memref_slice %arg2[%add3A_522] : memref<425984xi32, #tpu.memory_space<hbm>> -> memref<256xi32, #tpu.memory_space<hbm>>
    %dma_wait3A_744 = arith.constant 2560 : i32
    %dma_wait3A_745 = tpu.memref_slice %arg7[%dma_wait3A_744] : memref<6656xi32, #tpu.memory_space<vmem>> -> memref<256xi32, #tpu.memory_space<vmem>>
    %dma_wait3A_746 = tpu.memref_slice %arg2[%add3A_522] : memref<425984xi32, #tpu.memory_space<hbm>> -> memref<256xi32, #tpu.memory_space<hbm>>
    tpu.wait_dma2 semaphore(%arg13 : memref<!tpu.dma_semaphore, #tpu.memory_space<semaphore_mem>>) src(%dma_wait3A_746 : memref<256xi32, #tpu.memory_space<hbm>>) dst(%dma_wait3A_745 : memref<256xi32, #tpu.memory_space<vmem>>)
    %dma_wait3A_747 = arith.constant 2816 : i32
    %dma_wait3A_748 = tpu.memref_slice %arg7[%dma_wait3A_747] : memref<6656xi32, #tpu.memory_space<vmem>> -> memref<256xi32, #tpu.memory_space<vmem>>
    %dma_wait3A_749 = tpu.memref_slice %arg2[%add3A_532] : memref<425984xi32, #tpu.memory_space<hbm>> -> memref<256xi32, #tpu.memory_space<hbm>>
    %dma_wait3A_750 = arith.constant 2816 : i32
    %dma_wait3A_751 = tpu.memref_slice %arg7[%dma_wait3A_750] : memref<6656xi32, #tpu.memory_space<vmem>> -> memref<256xi32, #tpu.memory_space<vmem>>
    %dma_wait3A_752 = tpu.memref_slice %arg2[%add3A_532] : memref<425984xi32, #tpu.memory_space<hbm>> -> memref<256xi32, #tpu.memory_space<hbm>>
    tpu.wait_dma2 semaphore(%arg13 : memref<!tpu.dma_semaphore, #tpu.memory_space<semaphore_mem>>) src(%dma_wait3A_752 : memref<256xi32, #tpu.memory_space<hbm>>) dst(%dma_wait3A_751 : memref<256xi32, #tpu.memory_space<vmem>>)
    %dma_wait3A_753 = arith.constant 3072 : i32
    %dma_wait3A_754 = tpu.memref_slice %arg7[%dma_wait3A_753] : memref<6656xi32, #tpu.memory_space<vmem>> -> memref<256xi32, #tpu.memory_space<vmem>>
    %dma_wait3A_755 = tpu.memref_slice %arg2[%add3A_542] : memref<425984xi32, #tpu.memory_space<hbm>> -> memref<256xi32, #tpu.memory_space<hbm>>
    %dma_wait3A_756 = arith.constant 3072 : i32
    %dma_wait3A_757 = tpu.memref_slice %arg7[%dma_wait3A_756] : memref<6656xi32, #tpu.memory_space<vmem>> -> memref<256xi32, #tpu.memory_space<vmem>>
    %dma_wait3A_758 = tpu.memref_slice %arg2[%add3A_542] : memref<425984xi32, #tpu.memory_space<hbm>> -> memref<256xi32, #tpu.memory_space<hbm>>
    tpu.wait_dma2 semaphore(%arg13 : memref<!tpu.dma_semaphore, #tpu.memory_space<semaphore_mem>>) src(%dma_wait3A_758 : memref<256xi32, #tpu.memory_space<hbm>>) dst(%dma_wait3A_757 : memref<256xi32, #tpu.memory_space<vmem>>)
    %dma_wait3A_759 = arith.constant 3328 : i32
    %dma_wait3A_760 = tpu.memref_slice %arg7[%dma_wait3A_759] : memref<6656xi32, #tpu.memory_space<vmem>> -> memref<256xi32, #tpu.memory_space<vmem>>
    %dma_wait3A_761 = tpu.memref_slice %arg2[%add3A_552] : memref<425984xi32, #tpu.memory_space<hbm>> -> memref<256xi32, #tpu.memory_space<hbm>>
    %dma_wait3A_762 = arith.constant 3328 : i32
    %dma_wait3A_763 = tpu.memref_slice %arg7[%dma_wait3A_762] : memref<6656xi32, #tpu.memory_space<vmem>> -> memref<256xi32, #tpu.memory_space<vmem>>
    %dma_wait3A_764 = tpu.memref_slice %arg2[%add3A_552] : memref<425984xi32, #tpu.memory_space<hbm>> -> memref<256xi32, #tpu.memory_space<hbm>>
    tpu.wait_dma2 semaphore(%arg13 : memref<!tpu.dma_semaphore, #tpu.memory_space<semaphore_mem>>) src(%dma_wait3A_764 : memref<256xi32, #tpu.memory_space<hbm>>) dst(%dma_wait3A_763 : memref<256xi32, #tpu.memory_space<vmem>>)
    %dma_wait3A_765 = arith.constant 3584 : i32
    %dma_wait3A_766 = tpu.memref_slice %arg7[%dma_wait3A_765] : memref<6656xi32, #tpu.memory_space<vmem>> -> memref<256xi32, #tpu.memory_space<vmem>>
    %dma_wait3A_767 = tpu.memref_slice %arg2[%add3A_562] : memref<425984xi32, #tpu.memory_space<hbm>> -> memref<256xi32, #tpu.memory_space<hbm>>
    %dma_wait3A_768 = arith.constant 3584 : i32
    %dma_wait3A_769 = tpu.memref_slice %arg7[%dma_wait3A_768] : memref<6656xi32, #tpu.memory_space<vmem>> -> memref<256xi32, #tpu.memory_space<vmem>>
    %dma_wait3A_770 = tpu.memref_slice %arg2[%add3A_562] : memref<425984xi32, #tpu.memory_space<hbm>> -> memref<256xi32, #tpu.memory_space<hbm>>
    tpu.wait_dma2 semaphore(%arg13 : memref<!tpu.dma_semaphore, #tpu.memory_space<semaphore_mem>>) src(%dma_wait3A_770 : memref<256xi32, #tpu.memory_space<hbm>>) dst(%dma_wait3A_769 : memref<256xi32, #tpu.memory_space<vmem>>)
    %dma_wait3A_771 = arith.constant 3840 : i32
    %dma_wait3A_772 = tpu.memref_slice %arg7[%dma_wait3A_771] : memref<6656xi32, #tpu.memory_space<vmem>> -> memref<256xi32, #tpu.memory_space<vmem>>
    %dma_wait3A_773 = tpu.memref_slice %arg2[%add3A_572] : memref<425984xi32, #tpu.memory_space<hbm>> -> memref<256xi32, #tpu.memory_space<hbm>>
    %dma_wait3A_774 = arith.constant 3840 : i32
    %dma_wait3A_775 = tpu.memref_slice %arg7[%dma_wait3A_774] : memref<6656xi32, #tpu.memory_space<vmem>> -> memref<256xi32, #tpu.memory_space<vmem>>
    %dma_wait3A_776 = tpu.memref_slice %arg2[%add3A_572] : memref<425984xi32, #tpu.memory_space<hbm>> -> memref<256xi32, #tpu.memory_space<hbm>>
    tpu.wait_dma2 semaphore(%arg13 : memref<!tpu.dma_semaphore, #tpu.memory_space<semaphore_mem>>) src(%dma_wait3A_776 : memref<256xi32, #tpu.memory_space<hbm>>) dst(%dma_wait3A_775 : memref<256xi32, #tpu.memory_space<vmem>>)
    %dma_wait3A_777 = arith.constant 4096 : i32
    %dma_wait3A_778 = tpu.memref_slice %arg7[%dma_wait3A_777] : memref<6656xi32, #tpu.memory_space<vmem>> -> memref<256xi32, #tpu.memory_space<vmem>>
    %dma_wait3A_779 = tpu.memref_slice %arg2[%add3A_582] : memref<425984xi32, #tpu.memory_space<hbm>> -> memref<256xi32, #tpu.memory_space<hbm>>
    %dma_wait3A_780 = arith.constant 4096 : i32
    %dma_wait3A_781 = tpu.memref_slice %arg7[%dma_wait3A_780] : memref<6656xi32, #tpu.memory_space<vmem>> -> memref<256xi32, #tpu.memory_space<vmem>>
    %dma_wait3A_782 = tpu.memref_slice %arg2[%add3A_582] : memref<425984xi32, #tpu.memory_space<hbm>> -> memref<256xi32, #tpu.memory_space<hbm>>
    tpu.wait_dma2 semaphore(%arg13 : memref<!tpu.dma_semaphore, #tpu.memory_space<semaphore_mem>>) src(%dma_wait3A_782 : memref<256xi32, #tpu.memory_space<hbm>>) dst(%dma_wait3A_781 : memref<256xi32, #tpu.memory_space<vmem>>)
    %dma_wait3A_783 = arith.constant 4352 : i32
    %dma_wait3A_784 = tpu.memref_slice %arg7[%dma_wait3A_783] : memref<6656xi32, #tpu.memory_space<vmem>> -> memref<256xi32, #tpu.memory_space<vmem>>
    %dma_wait3A_785 = tpu.memref_slice %arg2[%add3A_592] : memref<425984xi32, #tpu.memory_space<hbm>> -> memref<256xi32, #tpu.memory_space<hbm>>
    %dma_wait3A_786 = arith.constant 4352 : i32
    %dma_wait3A_787 = tpu.memref_slice %arg7[%dma_wait3A_786] : memref<6656xi32, #tpu.memory_space<vmem>> -> memref<256xi32, #tpu.memory_space<vmem>>
    %dma_wait3A_788 = tpu.memref_slice %arg2[%add3A_592] : memref<425984xi32, #tpu.memory_space<hbm>> -> memref<256xi32, #tpu.memory_space<hbm>>
    tpu.wait_dma2 semaphore(%arg13 : memref<!tpu.dma_semaphore, #tpu.memory_space<semaphore_mem>>) src(%dma_wait3A_788 : memref<256xi32, #tpu.memory_space<hbm>>) dst(%dma_wait3A_787 : memref<256xi32, #tpu.memory_space<vmem>>)
    %dma_wait3A_789 = arith.constant 4608 : i32
    %dma_wait3A_790 = tpu.memref_slice %arg7[%dma_wait3A_789] : memref<6656xi32, #tpu.memory_space<vmem>> -> memref<256xi32, #tpu.memory_space<vmem>>
    %dma_wait3A_791 = tpu.memref_slice %arg2[%add3A_602] : memref<425984xi32, #tpu.memory_space<hbm>> -> memref<256xi32, #tpu.memory_space<hbm>>
    %dma_wait3A_792 = arith.constant 4608 : i32
    %dma_wait3A_793 = tpu.memref_slice %arg7[%dma_wait3A_792] : memref<6656xi32, #tpu.memory_space<vmem>> -> memref<256xi32, #tpu.memory_space<vmem>>
    %dma_wait3A_794 = tpu.memref_slice %arg2[%add3A_602] : memref<425984xi32, #tpu.memory_space<hbm>> -> memref<256xi32, #tpu.memory_space<hbm>>
    tpu.wait_dma2 semaphore(%arg13 : memref<!tpu.dma_semaphore, #tpu.memory_space<semaphore_mem>>) src(%dma_wait3A_794 : memref<256xi32, #tpu.memory_space<hbm>>) dst(%dma_wait3A_793 : memref<256xi32, #tpu.memory_space<vmem>>)
    %dma_wait3A_795 = arith.constant 4864 : i32
    %dma_wait3A_796 = tpu.memref_slice %arg7[%dma_wait3A_795] : memref<6656xi32, #tpu.memory_space<vmem>> -> memref<256xi32, #tpu.memory_space<vmem>>
    %dma_wait3A_797 = tpu.memref_slice %arg2[%add3A_612] : memref<425984xi32, #tpu.memory_space<hbm>> -> memref<256xi32, #tpu.memory_space<hbm>>
    %dma_wait3A_798 = arith.constant 4864 : i32
    %dma_wait3A_799 = tpu.memref_slice %arg7[%dma_wait3A_798] : memref<6656xi32, #tpu.memory_space<vmem>> -> memref<256xi32, #tpu.memory_space<vmem>>
    %dma_wait3A_800 = tpu.memref_slice %arg2[%add3A_612] : memref<425984xi32, #tpu.memory_space<hbm>> -> memref<256xi32, #tpu.memory_space<hbm>>
    tpu.wait_dma2 semaphore(%arg13 : memref<!tpu.dma_semaphore, #tpu.memory_space<semaphore_mem>>) src(%dma_wait3A_800 : memref<256xi32, #tpu.memory_space<hbm>>) dst(%dma_wait3A_799 : memref<256xi32, #tpu.memory_space<vmem>>)
    %dma_wait3A_801 = arith.constant 5120 : i32
    %dma_wait3A_802 = tpu.memref_slice %arg7[%dma_wait3A_801] : memref<6656xi32, #tpu.memory_space<vmem>> -> memref<256xi32, #tpu.memory_space<vmem>>
    %dma_wait3A_803 = tpu.memref_slice %arg2[%add3A_622] : memref<425984xi32, #tpu.memory_space<hbm>> -> memref<256xi32, #tpu.memory_space<hbm>>
    %dma_wait3A_804 = arith.constant 5120 : i32
    %dma_wait3A_805 = tpu.memref_slice %arg7[%dma_wait3A_804] : memref<6656xi32, #tpu.memory_space<vmem>> -> memref<256xi32, #tpu.memory_space<vmem>>
    %dma_wait3A_806 = tpu.memref_slice %arg2[%add3A_622] : memref<425984xi32, #tpu.memory_space<hbm>> -> memref<256xi32, #tpu.memory_space<hbm>>
    tpu.wait_dma2 semaphore(%arg13 : memref<!tpu.dma_semaphore, #tpu.memory_space<semaphore_mem>>) src(%dma_wait3A_806 : memref<256xi32, #tpu.memory_space<hbm>>) dst(%dma_wait3A_805 : memref<256xi32, #tpu.memory_space<vmem>>)
    %dma_wait3A_807 = arith.constant 5376 : i32
    %dma_wait3A_808 = tpu.memref_slice %arg7[%dma_wait3A_807] : memref<6656xi32, #tpu.memory_space<vmem>> -> memref<256xi32, #tpu.memory_space<vmem>>
    %dma_wait3A_809 = tpu.memref_slice %arg2[%add3A_632] : memref<425984xi32, #tpu.memory_space<hbm>> -> memref<256xi32, #tpu.memory_space<hbm>>
    %dma_wait3A_810 = arith.constant 5376 : i32
    %dma_wait3A_811 = tpu.memref_slice %arg7[%dma_wait3A_810] : memref<6656xi32, #tpu.memory_space<vmem>> -> memref<256xi32, #tpu.memory_space<vmem>>
    %dma_wait3A_812 = tpu.memref_slice %arg2[%add3A_632] : memref<425984xi32, #tpu.memory_space<hbm>> -> memref<256xi32, #tpu.memory_space<hbm>>
    tpu.wait_dma2 semaphore(%arg13 : memref<!tpu.dma_semaphore, #tpu.memory_space<semaphore_mem>>) src(%dma_wait3A_812 : memref<256xi32, #tpu.memory_space<hbm>>) dst(%dma_wait3A_811 : memref<256xi32, #tpu.memory_space<vmem>>)
    %dma_wait3A_813 = arith.constant 5632 : i32
    %dma_wait3A_814 = tpu.memref_slice %arg7[%dma_wait3A_813] : memref<6656xi32, #tpu.memory_space<vmem>> -> memref<256xi32, #tpu.memory_space<vmem>>
    %dma_wait3A_815 = tpu.memref_slice %arg2[%add3A_642] : memref<425984xi32, #tpu.memory_space<hbm>> -> memref<256xi32, #tpu.memory_space<hbm>>
    %dma_wait3A_816 = arith.constant 5632 : i32
    %dma_wait3A_817 = tpu.memref_slice %arg7[%dma_wait3A_816] : memref<6656xi32, #tpu.memory_space<vmem>> -> memref<256xi32, #tpu.memory_space<vmem>>
    %dma_wait3A_818 = tpu.memref_slice %arg2[%add3A_642] : memref<425984xi32, #tpu.memory_space<hbm>> -> memref<256xi32, #tpu.memory_space<hbm>>
    tpu.wait_dma2 semaphore(%arg13 : memref<!tpu.dma_semaphore, #tpu.memory_space<semaphore_mem>>) src(%dma_wait3A_818 : memref<256xi32, #tpu.memory_space<hbm>>) dst(%dma_wait3A_817 : memref<256xi32, #tpu.memory_space<vmem>>)
    %dma_wait3A_819 = arith.constant 5888 : i32
    %dma_wait3A_820 = tpu.memref_slice %arg7[%dma_wait3A_819] : memref<6656xi32, #tpu.memory_space<vmem>> -> memref<256xi32, #tpu.memory_space<vmem>>
    %dma_wait3A_821 = tpu.memref_slice %arg2[%add3A_652] : memref<425984xi32, #tpu.memory_space<hbm>> -> memref<256xi32, #tpu.memory_space<hbm>>
    %dma_wait3A_822 = arith.constant 5888 : i32
    %dma_wait3A_823 = tpu.memref_slice %arg7[%dma_wait3A_822] : memref<6656xi32, #tpu.memory_space<vmem>> -> memref<256xi32, #tpu.memory_space<vmem>>
    %dma_wait3A_824 = tpu.memref_slice %arg2[%add3A_652] : memref<425984xi32, #tpu.memory_space<hbm>> -> memref<256xi32, #tpu.memory_space<hbm>>
    tpu.wait_dma2 semaphore(%arg13 : memref<!tpu.dma_semaphore, #tpu.memory_space<semaphore_mem>>) src(%dma_wait3A_824 : memref<256xi32, #tpu.memory_space<hbm>>) dst(%dma_wait3A_823 : memref<256xi32, #tpu.memory_space<vmem>>)
    %dma_wait3A_825 = arith.constant 6144 : i32
    %dma_wait3A_826 = tpu.memref_slice %arg7[%dma_wait3A_825] : memref<6656xi32, #tpu.memory_space<vmem>> -> memref<256xi32, #tpu.memory_space<vmem>>
    %dma_wait3A_827 = tpu.memref_slice %arg2[%add3A_662] : memref<425984xi32, #tpu.memory_space<hbm>> -> memref<256xi32, #tpu.memory_space<hbm>>
    %dma_wait3A_828 = arith.constant 6144 : i32
    %dma_wait3A_829 = tpu.memref_slice %arg7[%dma_wait3A_828] : memref<6656xi32, #tpu.memory_space<vmem>> -> memref<256xi32, #tpu.memory_space<vmem>>
    %dma_wait3A_830 = tpu.memref_slice %arg2[%add3A_662] : memref<425984xi32, #tpu.memory_space<hbm>> -> memref<256xi32, #tpu.memory_space<hbm>>
    tpu.wait_dma2 semaphore(%arg13 : memref<!tpu.dma_semaphore, #tpu.memory_space<semaphore_mem>>) src(%dma_wait3A_830 : memref<256xi32, #tpu.memory_space<hbm>>) dst(%dma_wait3A_829 : memref<256xi32, #tpu.memory_space<vmem>>)
    %dma_wait3A_831 = arith.constant 6400 : i32
    %dma_wait3A_832 = tpu.memref_slice %arg7[%dma_wait3A_831] : memref<6656xi32, #tpu.memory_space<vmem>> -> memref<256xi32, #tpu.memory_space<vmem>>
    %dma_wait3A_833 = tpu.memref_slice %arg2[%add3A_672] : memref<425984xi32, #tpu.memory_space<hbm>> -> memref<256xi32, #tpu.memory_space<hbm>>
    %dma_wait3A_834 = arith.constant 6400 : i32
    %dma_wait3A_835 = tpu.memref_slice %arg7[%dma_wait3A_834] : memref<6656xi32, #tpu.memory_space<vmem>> -> memref<256xi32, #tpu.memory_space<vmem>>
    %dma_wait3A_836 = tpu.memref_slice %arg2[%add3A_672] : memref<425984xi32, #tpu.memory_space<hbm>> -> memref<256xi32, #tpu.memory_space<hbm>>
    tpu.wait_dma2 semaphore(%arg13 : memref<!tpu.dma_semaphore, #tpu.memory_space<semaphore_mem>>) src(%dma_wait3A_836 : memref<256xi32, #tpu.memory_space<hbm>>) dst(%dma_wait3A_835 : memref<256xi32, #tpu.memory_space<vmem>>)
    %dma_start3A_837 = arith.constant 0 : i32
    %dma_start3A_838 = tpu.memref_slice %arg3[%dma_start3A_837] : memref<1040384xf32, #tpu.memory_space<hbm>> -> memref<1040384xf32, #tpu.memory_space<hbm>>
    tpu.enqueue_indirect_dma source(%dma_start3A_838 : memref<1040384xf32, #tpu.memory_space<hbm>>) target(%arg9 : memref<6656xf32, #tpu.memory_space<vmem>>) offsets(%arg7 : memref<6656xi32, #tpu.memory_space<vmem>>) semaphore(%arg15 : memref<!tpu.dma_semaphore, #tpu.memory_space<semaphore_mem>>)
    %get3A = arith.constant 0 : index
    %get3A_839 = tpu.vector_load %arg11[%get3A] {strides = array<i32>} : memref<16xf32, #tpu.memory_space<vmem>>, vector<16xf32>,
    %scan3A = arith.constant 0 : i32
    %scan3A_840 = arith.constant 0 : i32
    %scan3A_841 = arith.constant 16 : i32
    %scan3A_842 = arith.addi %scan3A_840, %scan3A_841 : i32
    %scan3A_843 = arith.constant 1 : i32
    scf.for %scan3A_853 = %scan3A_840 to %scan3A_842 step %scan3A_843  : i32 {
      %mul3A_854 = arith.constant 16 : i32
      %mul3A_855 = arith.muli %scan3A_853, %mul3A_854 : i32
      %add3A_856 = arith.constant 0 : i32
      %add3A_857 = arith.addi %add3A_856, %mul3A_855 : i32
      %get3A_858 = arith.index_cast %add3A_857 : i32 to index
      %get3A_859 = tpu.vector_load %arg8[%get3A_858] {strides = array<i32>} : memref<6656xf32, #tpu.memory_space<vmem>>, vector<16xf32>,
      %add3A_860 = arith.addf %get3A_839, %get3A_859 : vector<16xf32>
      %add3A_861 = arith.constant 256 : i32
      %add3A_862 = arith.addi %add3A_861, %mul3A_855 : i32
      %get3A_863 = arith.index_cast %add3A_862 : i32 to index
      %get3A_864 = tpu.vector_load %arg8[%get3A_863] {strides = array<i32>} : memref<6656xf32, #tpu.memory_space<vmem>>, vector<16xf32>,
      %add3A_865 = arith.addf %add3A_860, %get3A_864 : vector<16xf32>
      %add3A_866 = arith.constant 512 : i32
      %add3A_867 = arith.addi %add3A_866, %mul3A_855 : i32
      %get3A_868 = arith.index_cast %add3A_867 : i32 to index
      %get3A_869 = tpu.vector_load %arg8[%get3A_868] {strides = array<i32>} : memref<6656xf32, #tpu.memory_space<vmem>>, vector<16xf32>,
      %add3A_870 = arith.addf %add3A_865, %get3A_869 : vector<16xf32>
      %add3A_871 = arith.constant 768 : i32
      %add3A_872 = arith.addi %add3A_871, %mul3A_855 : i32
      %get3A_873 = arith.index_cast %add3A_872 : i32 to index
      %get3A_874 = tpu.vector_load %arg8[%get3A_873] {strides = array<i32>} : memref<6656xf32, #tpu.memory_space<vmem>>, vector<16xf32>,
      %add3A_875 = arith.addf %add3A_870, %get3A_874 : vector<16xf32>
      %add3A_876 = arith.constant 1024 : i32
      %add3A_877 = arith.addi %add3A_876, %mul3A_855 : i32
      %get3A_878 = arith.index_cast %add3A_877 : i32 to index
      %get3A_879 = tpu.vector_load %arg8[%get3A_878] {strides = array<i32>} : memref<6656xf32, #tpu.memory_space<vmem>>, vector<16xf32>,
      %add3A_880 = arith.addf %add3A_875, %get3A_879 : vector<16xf32>
      %add3A_881 = arith.constant 1280 : i32
      %add3A_882 = arith.addi %add3A_881, %mul3A_855 : i32
      %get3A_883 = arith.index_cast %add3A_882 : i32 to index
      %get3A_884 = tpu.vector_load %arg8[%get3A_883] {strides = array<i32>} : memref<6656xf32, #tpu.memory_space<vmem>>, vector<16xf32>,
      %add3A_885 = arith.addf %add3A_880, %get3A_884 : vector<16xf32>
      %add3A_886 = arith.constant 1536 : i32
      %add3A_887 = arith.addi %add3A_886, %mul3A_855 : i32
      %get3A_888 = arith.index_cast %add3A_887 : i32 to index
      %get3A_889 = tpu.vector_load %arg8[%get3A_888] {strides = array<i32>} : memref<6656xf32, #tpu.memory_space<vmem>>, vector<16xf32>,
      %add3A_890 = arith.addf %add3A_885, %get3A_889 : vector<16xf32>
      %add3A_891 = arith.constant 1792 : i32
      %add3A_892 = arith.addi %add3A_891, %mul3A_855 : i32
      %get3A_893 = arith.index_cast %add3A_892 : i32 to index
      %get3A_894 = tpu.vector_load %arg8[%get3A_893] {strides = array<i32>} : memref<6656xf32, #tpu.memory_space<vmem>>, vector<16xf32>,
      %add3A_895 = arith.addf %add3A_890, %get3A_894 : vector<16xf32>
      %add3A_896 = arith.constant 2048 : i32
      %add3A_897 = arith.addi %add3A_896, %mul3A_855 : i32
      %get3A_898 = arith.index_cast %add3A_897 : i32 to index
      %get3A_899 = tpu.vector_load %arg8[%get3A_898] {strides = array<i32>} : memref<6656xf32, #tpu.memory_space<vmem>>, vector<16xf32>,
      %add3A_900 = arith.addf %add3A_895, %get3A_899 : vector<16xf32>
      %add3A_901 = arith.constant 2304 : i32
      %add3A_902 = arith.addi %add3A_901, %mul3A_855 : i32
      %get3A_903 = arith.index_cast %add3A_902 : i32 to index
      %get3A_904 = tpu.vector_load %arg8[%get3A_903] {strides = array<i32>} : memref<6656xf32, #tpu.memory_space<vmem>>, vector<16xf32>,
      %add3A_905 = arith.addf %add3A_900, %get3A_904 : vector<16xf32>
      %add3A_906 = arith.constant 2560 : i32
      %add3A_907 = arith.addi %add3A_906, %mul3A_855 : i32
      %get3A_908 = arith.index_cast %add3A_907 : i32 to index
      %get3A_909 = tpu.vector_load %arg8[%get3A_908] {strides = array<i32>} : memref<6656xf32, #tpu.memory_space<vmem>>, vector<16xf32>,
      %add3A_910 = arith.addf %add3A_905, %get3A_909 : vector<16xf32>
      %add3A_911 = arith.constant 2816 : i32
      %add3A_912 = arith.addi %add3A_911, %mul3A_855 : i32
      %get3A_913 = arith.index_cast %add3A_912 : i32 to index
      %get3A_914 = tpu.vector_load %arg8[%get3A_913] {strides = array<i32>} : memref<6656xf32, #tpu.memory_space<vmem>>, vector<16xf32>,
      %add3A_915 = arith.addf %add3A_910, %get3A_914 : vector<16xf32>
      %add3A_916 = arith.constant 3072 : i32
      %add3A_917 = arith.addi %add3A_916, %mul3A_855 : i32
      %get3A_918 = arith.index_cast %add3A_917 : i32 to index
      %get3A_919 = tpu.vector_load %arg8[%get3A_918] {strides = array<i32>} : memref<6656xf32, #tpu.memory_space<vmem>>, vector<16xf32>,
      %add3A_920 = arith.addf %add3A_915, %get3A_919 : vector<16xf32>
      %add3A_921 = arith.constant 3328 : i32
      %add3A_922 = arith.addi %add3A_921, %mul3A_855 : i32
      %get3A_923 = arith.index_cast %add3A_922 : i32 to index
      %get3A_924 = tpu.vector_load %arg8[%get3A_923] {strides = array<i32>} : memref<6656xf32, #tpu.memory_space<vmem>>, vector<16xf32>,
      %add3A_925 = arith.addf %add3A_920, %get3A_924 : vector<16xf32>
      %add3A_926 = arith.constant 3584 : i32
      %add3A_927 = arith.addi %add3A_926, %mul3A_855 : i32
      %get3A_928 = arith.index_cast %add3A_927 : i32 to index
      %get3A_929 = tpu.vector_load %arg8[%get3A_928] {strides = array<i32>} : memref<6656xf32, #tpu.memory_space<vmem>>, vector<16xf32>,
      %add3A_930 = arith.addf %add3A_925, %get3A_929 : vector<16xf32>
      %add3A_931 = arith.constant 3840 : i32
      %add3A_932 = arith.addi %add3A_931, %mul3A_855 : i32
      %get3A_933 = arith.index_cast %add3A_932 : i32 to index
      %get3A_934 = tpu.vector_load %arg8[%get3A_933] {strides = array<i32>} : memref<6656xf32, #tpu.memory_space<vmem>>, vector<16xf32>,
      %add3A_935 = arith.addf %add3A_930, %get3A_934 : vector<16xf32>
      %add3A_936 = arith.constant 4096 : i32
      %add3A_937 = arith.addi %add3A_936, %mul3A_855 : i32
      %get3A_938 = arith.index_cast %add3A_937 : i32 to index
      %get3A_939 = tpu.vector_load %arg8[%get3A_938] {strides = array<i32>} : memref<6656xf32, #tpu.memory_space<vmem>>, vector<16xf32>,
      %add3A_940 = arith.addf %add3A_935, %get3A_939 : vector<16xf32>
      %add3A_941 = arith.constant 4352 : i32
      %add3A_942 = arith.addi %add3A_941, %mul3A_855 : i32
      %get3A_943 = arith.index_cast %add3A_942 : i32 to index
      %get3A_944 = tpu.vector_load %arg8[%get3A_943] {strides = array<i32>} : memref<6656xf32, #tpu.memory_space<vmem>>, vector<16xf32>,
      %add3A_945 = arith.addf %add3A_940, %get3A_944 : vector<16xf32>
      %add3A_946 = arith.constant 4608 : i32
      %add3A_947 = arith.addi %add3A_946, %mul3A_855 : i32
      %get3A_948 = arith.index_cast %add3A_947 : i32 to index
      %get3A_949 = tpu.vector_load %arg8[%get3A_948] {strides = array<i32>} : memref<6656xf32, #tpu.memory_space<vmem>>, vector<16xf32>,
      %add3A_950 = arith.addf %add3A_945, %get3A_949 : vector<16xf32>
      %add3A_951 = arith.constant 4864 : i32
      %add3A_952 = arith.addi %add3A_951, %mul3A_855 : i32
      %get3A_953 = arith.index_cast %add3A_952 : i32 to index
      %get3A_954 = tpu.vector_load %arg8[%get3A_953] {strides = array<i32>} : memref<6656xf32, #tpu.memory_space<vmem>>, vector<16xf32>,
      %add3A_955 = arith.addf %add3A_950, %get3A_954 : vector<16xf32>
      %add3A_956 = arith.constant 5120 : i32
      %add3A_957 = arith.addi %add3A_956, %mul3A_855 : i32
      %get3A_958 = arith.index_cast %add3A_957 : i32 to index
      %get3A_959 = tpu.vector_load %arg8[%get3A_958] {strides = array<i32>} : memref<6656xf32, #tpu.memory_space<vmem>>, vector<16xf32>,
      %add3A_960 = arith.addf %add3A_955, %get3A_959 : vector<16xf32>
      %add3A_961 = arith.constant 5376 : i32
      %add3A_962 = arith.addi %add3A_961, %mul3A_855 : i32
      %get3A_963 = arith.index_cast %add3A_962 : i32 to index
      %get3A_964 = tpu.vector_load %arg8[%get3A_963] {strides = array<i32>} : memref<6656xf32, #tpu.memory_space<vmem>>, vector<16xf32>,
      %add3A_965 = arith.addf %add3A_960, %get3A_964 : vector<16xf32>
      %add3A_966 = arith.constant 5632 : i32
      %add3A_967 = arith.addi %add3A_966, %mul3A_855 : i32
      %get3A_968 = arith.index_cast %add3A_967 : i32 to index
      %get3A_969 = tpu.vector_load %arg8[%get3A_968] {strides = array<i32>} : memref<6656xf32, #tpu.memory_space<vmem>>, vector<16xf32>,
      %add3A_970 = arith.addf %add3A_965, %get3A_969 : vector<16xf32>
      %add3A_971 = arith.constant 5888 : i32
      %add3A_972 = arith.addi %add3A_971, %mul3A_855 : i32
      %get3A_973 = arith.index_cast %add3A_972 : i32 to index
      %get3A_974 = tpu.vector_load %arg8[%get3A_973] {strides = array<i32>} : memref<6656xf32, #tpu.memory_space<vmem>>, vector<16xf32>,
      %add3A_975 = arith.addf %add3A_970, %get3A_974 : vector<16xf32>
      %add3A_976 = arith.constant 6144 : i32
      %add3A_977 = arith.addi %add3A_976, %mul3A_855 : i32
      %get3A_978 = arith.index_cast %add3A_977 : i32 to index
      %get3A_979 = tpu.vector_load %arg8[%get3A_978] {strides = array<i32>} : memref<6656xf32, #tpu.memory_space<vmem>>, vector<16xf32>,
      %add3A_980 = arith.addf %add3A_975, %get3A_979 : vector<16xf32>
      %add3A_981 = arith.constant 6400 : i32
      %add3A_982 = arith.addi %add3A_981, %mul3A_855 : i32
      %get3A_983 = arith.index_cast %add3A_982 : i32 to index
      %get3A_984 = tpu.vector_load %arg8[%get3A_983] {strides = array<i32>} : memref<6656xf32, #tpu.memory_space<vmem>>, vector<16xf32>,
      %add3A_985 = arith.addf %add3A_980, %get3A_984 : vector<16xf32>
      %add3A_986 = arith.constant 0 : i32
      %add3A_987 = arith.addi %add3A_986, %mul3A_855 : i32
      %swap3A = arith.index_cast %add3A_987 : i32 to index
      %swap3A_988 = tpu.vector_load %arg10[%swap3A] {strides = array<i32>} : memref<512xf32, #tpu.memory_space<vmem>>, vector<16xf32>,
      tpu.vector_store %arg10[%swap3A], %add3A_985 {strides = array<i32>} : memref<512xf32, #tpu.memory_space<vmem>>, vector<16xf32>,
    }
    %scan3A_844 = arith.constant 16 : i32
    %dma_wait3A_845 = arith.constant 0 : i32
    %dma_wait3A_846 = tpu.memref_slice %arg3[%dma_wait3A_845] : memref<1040384xf32, #tpu.memory_space<hbm>> -> memref<1040384xf32, #tpu.memory_space<hbm>>
    tpu.wait_indirect_dma semaphore(%arg15 : memref<!tpu.dma_semaphore, #tpu.memory_space<semaphore_mem>>) src(%dma_wait3A_846 : memref<1040384xf32, #tpu.memory_space<hbm>>) dst(%arg9 : memref<6656xf32, #tpu.memory_space<vmem>>)
    %scan3A_847 = arith.constant 0 : i32
    %scan3A_848 = arith.constant 0 : i32
    %scan3A_849 = arith.constant 16 : i32
    %scan3A_850 = arith.addi %scan3A_848, %scan3A_849 : i32
    %scan3A_851 = arith.constant 1 : i32
    scf.for %scan3A_853 = %scan3A_848 to %scan3A_850 step %scan3A_851  : i32 {
      %mul3A_854 = arith.constant 16 : i32
      %mul3A_855 = arith.muli %scan3A_853, %mul3A_854 : i32
      %add3A_856 = arith.constant 0 : i32
      %add3A_857 = arith.addi %add3A_856, %mul3A_855 : i32
      %get3A_858 = arith.index_cast %add3A_857 : i32 to index
      %get3A_859 = tpu.vector_load %arg9[%get3A_858] {strides = array<i32>} : memref<6656xf32, #tpu.memory_space<vmem>>, vector<16xf32>,
      %add3A_860 = arith.addf %get3A_839, %get3A_859 : vector<16xf32>
      %add3A_861 = arith.constant 256 : i32
      %add3A_862 = arith.addi %add3A_861, %mul3A_855 : i32
      %get3A_863 = arith.index_cast %add3A_862 : i32 to index
      %get3A_864 = tpu.vector_load %arg9[%get3A_863] {strides = array<i32>} : memref<6656xf32, #tpu.memory_space<vmem>>, vector<16xf32>,
      %add3A_865 = arith.addf %add3A_860, %get3A_864 : vector<16xf32>
      %add3A_866 = arith.constant 512 : i32
      %add3A_867 = arith.addi %add3A_866, %mul3A_855 : i32
      %get3A_868 = arith.index_cast %add3A_867 : i32 to index
      %get3A_869 = tpu.vector_load %arg9[%get3A_868] {strides = array<i32>} : memref<6656xf32, #tpu.memory_space<vmem>>, vector<16xf32>,
      %add3A_870 = arith.addf %add3A_865, %get3A_869 : vector<16xf32>
      %add3A_871 = arith.constant 768 : i32
      %add3A_872 = arith.addi %add3A_871, %mul3A_855 : i32
      %get3A_873 = arith.index_cast %add3A_872 : i32 to index
      %get3A_874 = tpu.vector_load %arg9[%get3A_873] {strides = array<i32>} : memref<6656xf32, #tpu.memory_space<vmem>>, vector<16xf32>,
      %add3A_875 = arith.addf %add3A_870, %get3A_874 : vector<16xf32>
      %add3A_876 = arith.constant 1024 : i32
      %add3A_877 = arith.addi %add3A_876, %mul3A_855 : i32
      %get3A_878 = arith.index_cast %add3A_877 : i32 to index
      %get3A_879 = tpu.vector_load %arg9[%get3A_878] {strides = array<i32>} : memref<6656xf32, #tpu.memory_space<vmem>>, vector<16xf32>,
      %add3A_880 = arith.addf %add3A_875, %get3A_879 : vector<16xf32>
      %add3A_881 = arith.constant 1280 : i32
      %add3A_882 = arith.addi %add3A_881, %mul3A_855 : i32
      %get3A_883 = arith.index_cast %add3A_882 : i32 to index
      %get3A_884 = tpu.vector_load %arg9[%get3A_883] {strides = array<i32>} : memref<6656xf32, #tpu.memory_space<vmem>>, vector<16xf32>,
      %add3A_885 = arith.addf %add3A_880, %get3A_884 : vector<16xf32>
      %add3A_886 = arith.constant 1536 : i32
      %add3A_887 = arith.addi %add3A_886, %mul3A_855 : i32
      %get3A_888 = arith.index_cast %add3A_887 : i32 to index
      %get3A_889 = tpu.vector_load %arg9[%get3A_888] {strides = array<i32>} : memref<6656xf32, #tpu.memory_space<vmem>>, vector<16xf32>,
      %add3A_890 = arith.addf %add3A_885, %get3A_889 : vector<16xf32>
      %add3A_891 = arith.constant 1792 : i32
      %add3A_892 = arith.addi %add3A_891, %mul3A_855 : i32
      %get3A_893 = arith.index_cast %add3A_892 : i32 to index
      %get3A_894 = tpu.vector_load %arg9[%get3A_893] {strides = array<i32>} : memref<6656xf32, #tpu.memory_space<vmem>>, vector<16xf32>,
      %add3A_895 = arith.addf %add3A_890, %get3A_894 : vector<16xf32>
      %add3A_896 = arith.constant 2048 : i32
      %add3A_897 = arith.addi %add3A_896, %mul3A_855 : i32
      %get3A_898 = arith.index_cast %add3A_897 : i32 to index
      %get3A_899 = tpu.vector_load %arg9[%get3A_898] {strides = array<i32>} : memref<6656xf32, #tpu.memory_space<vmem>>, vector<16xf32>,
      %add3A_900 = arith.addf %add3A_895, %get3A_899 : vector<16xf32>
      %add3A_901 = arith.constant 2304 : i32
      %add3A_902 = arith.addi %add3A_901, %mul3A_855 : i32
      %get3A_903 = arith.index_cast %add3A_902 : i32 to index
      %get3A_904 = tpu.vector_load %arg9[%get3A_903] {strides = array<i32>} : memref<6656xf32, #tpu.memory_space<vmem>>, vector<16xf32>,
      %add3A_905 = arith.addf %add3A_900, %get3A_904 : vector<16xf32>
      %add3A_906 = arith.constant 2560 : i32
      %add3A_907 = arith.addi %add3A_906, %mul3A_855 : i32
      %get3A_908 = arith.index_cast %add3A_907 : i32 to index
      %get3A_909 = tpu.vector_load %arg9[%get3A_908] {strides = array<i32>} : memref<6656xf32, #tpu.memory_space<vmem>>, vector<16xf32>,
      %add3A_910 = arith.addf %add3A_905, %get3A_909 : vector<16xf32>
      %add3A_911 = arith.constant 2816 : i32
      %add3A_912 = arith.addi %add3A_911, %mul3A_855 : i32
      %get3A_913 = arith.index_cast %add3A_912 : i32 to index
      %get3A_914 = tpu.vector_load %arg9[%get3A_913] {strides = array<i32>} : memref<6656xf32, #tpu.memory_space<vmem>>, vector<16xf32>,
      %add3A_915 = arith.addf %add3A_910, %get3A_914 : vector<16xf32>
      %add3A_916 = arith.constant 3072 : i32
      %add3A_917 = arith.addi %add3A_916, %mul3A_855 : i32
      %get3A_918 = arith.index_cast %add3A_917 : i32 to index
      %get3A_919 = tpu.vector_load %arg9[%get3A_918] {strides = array<i32>} : memref<6656xf32, #tpu.memory_space<vmem>>, vector<16xf32>,
      %add3A_920 = arith.addf %add3A_915, %get3A_919 : vector<16xf32>
      %add3A_921 = arith.constant 3328 : i32
      %add3A_922 = arith.addi %add3A_921, %mul3A_855 : i32
      %get3A_923 = arith.index_cast %add3A_922 : i32 to index
      %get3A_924 = tpu.vector_load %arg9[%get3A_923] {strides = array<i32>} : memref<6656xf32, #tpu.memory_space<vmem>>, vector<16xf32>,
      %add3A_925 = arith.addf %add3A_920, %get3A_924 : vector<16xf32>
      %add3A_926 = arith.constant 3584 : i32
      %add3A_927 = arith.addi %add3A_926, %mul3A_855 : i32
      %get3A_928 = arith.index_cast %add3A_927 : i32 to index
      %get3A_929 = tpu.vector_load %arg9[%get3A_928] {strides = array<i32>} : memref<6656xf32, #tpu.memory_space<vmem>>, vector<16xf32>,
      %add3A_930 = arith.addf %add3A_925, %get3A_929 : vector<16xf32>
      %add3A_931 = arith.constant 3840 : i32
      %add3A_932 = arith.addi %add3A_931, %mul3A_855 : i32
      %get3A_933 = arith.index_cast %add3A_932 : i32 to index
      %get3A_934 = tpu.vector_load %arg9[%get3A_933] {strides = array<i32>} : memref<6656xf32, #tpu.memory_space<vmem>>, vector<16xf32>,
      %add3A_935 = arith.addf %add3A_930, %get3A_934 : vector<16xf32>
      %add3A_936 = arith.constant 4096 : i32
      %add3A_937 = arith.addi %add3A_936, %mul3A_855 : i32
      %get3A_938 = arith.index_cast %add3A_937 : i32 to index
      %get3A_939 = tpu.vector_load %arg9[%get3A_938] {strides = array<i32>} : memref<6656xf32, #tpu.memory_space<vmem>>, vector<16xf32>,
      %add3A_940 = arith.addf %add3A_935, %get3A_939 : vector<16xf32>
      %add3A_941 = arith.constant 4352 : i32
      %add3A_942 = arith.addi %add3A_941, %mul3A_855 : i32
      %get3A_943 = arith.index_cast %add3A_942 : i32 to index
      %get3A_944 = tpu.vector_load %arg9[%get3A_943] {strides = array<i32>} : memref<6656xf32, #tpu.memory_space<vmem>>, vector<16xf32>,
      %add3A_945 = arith.addf %add3A_940, %get3A_944 : vector<16xf32>
      %add3A_946 = arith.constant 4608 : i32
      %add3A_947 = arith.addi %add3A_946, %mul3A_855 : i32
      %get3A_948 = arith.index_cast %add3A_947 : i32 to index
      %get3A_949 = tpu.vector_load %arg9[%get3A_948] {strides = array<i32>} : memref<6656xf32, #tpu.memory_space<vmem>>, vector<16xf32>,
      %add3A_950 = arith.addf %add3A_945, %get3A_949 : vector<16xf32>
      %add3A_951 = arith.constant 4864 : i32
      %add3A_952 = arith.addi %add3A_951, %mul3A_855 : i32
      %get3A_953 = arith.index_cast %add3A_952 : i32 to index
      %get3A_954 = tpu.vector_load %arg9[%get3A_953] {strides = array<i32>} : memref<6656xf32, #tpu.memory_space<vmem>>, vector<16xf32>,
      %add3A_955 = arith.addf %add3A_950, %get3A_954 : vector<16xf32>
      %add3A_956 = arith.constant 5120 : i32
      %add3A_957 = arith.addi %add3A_956, %mul3A_855 : i32
      %get3A_958 = arith.index_cast %add3A_957 : i32 to index
      %get3A_959 = tpu.vector_load %arg9[%get3A_958] {strides = array<i32>} : memref<6656xf32, #tpu.memory_space<vmem>>, vector<16xf32>,
      %add3A_960 = arith.addf %add3A_955, %get3A_959 : vector<16xf32>
      %add3A_961 = arith.constant 5376 : i32
      %add3A_962 = arith.addi %add3A_961, %mul3A_855 : i32
      %get3A_963 = arith.index_cast %add3A_962 : i32 to index
      %get3A_964 = tpu.vector_load %arg9[%get3A_963] {strides = array<i32>} : memref<6656xf32, #tpu.memory_space<vmem>>, vector<16xf32>,
      %add3A_965 = arith.addf %add3A_960, %get3A_964 : vector<16xf32>
      %add3A_966 = arith.constant 5632 : i32
      %add3A_967 = arith.addi %add3A_966, %mul3A_855 : i32
      %get3A_968 = arith.index_cast %add3A_967 : i32 to index
      %get3A_969 = tpu.vector_load %arg9[%get3A_968] {strides = array<i32>} : memref<6656xf32, #tpu.memory_space<vmem>>, vector<16xf32>,
      %add3A_970 = arith.addf %add3A_965, %get3A_969 : vector<16xf32>
      %add3A_971 = arith.constant 5888 : i32
      %add3A_972 = arith.addi %add3A_971, %mul3A_855 : i32
      %get3A_973 = arith.index_cast %add3A_972 : i32 to index
      %get3A_974 = tpu.vector_load %arg9[%get3A_973] {strides = array<i32>} : memref<6656xf32, #tpu.memory_space<vmem>>, vector<16xf32>,
      %add3A_975 = arith.addf %add3A_970, %get3A_974 : vector<16xf32>
      %add3A_976 = arith.constant 6144 : i32
      %add3A_977 = arith.addi %add3A_976, %mul3A_855 : i32
      %get3A_978 = arith.index_cast %add3A_977 : i32 to index
      %get3A_979 = tpu.vector_load %arg9[%get3A_978] {strides = array<i32>} : memref<6656xf32, #tpu.memory_space<vmem>>, vector<16xf32>,
      %add3A_980 = arith.addf %add3A_975, %get3A_979 : vector<16xf32>
      %add3A_981 = arith.constant 6400 : i32
      %add3A_982 = arith.addi %add3A_981, %mul3A_855 : i32
      %get3A_983 = arith.index_cast %add3A_982 : i32 to index
      %get3A_984 = tpu.vector_load %arg9[%get3A_983] {strides = array<i32>} : memref<6656xf32, #tpu.memory_space<vmem>>, vector<16xf32>,
      %add3A_985 = arith.addf %add3A_980, %get3A_984 : vector<16xf32>
      %add3A_986 = arith.constant 256 : i32
      %add3A_987 = arith.addi %add3A_986, %mul3A_855 : i32
      %swap3A = arith.index_cast %add3A_987 : i32 to index
      %swap3A_988 = tpu.vector_load %arg10[%swap3A] {strides = array<i32>} : memref<512xf32, #tpu.memory_space<vmem>>, vector<16xf32>,
      tpu.vector_store %arg10[%swap3A], %add3A_985 {strides = array<i32>} : memref<512xf32, #tpu.memory_space<vmem>>, vector<16xf32>,
    }
    %scan3A_852 = arith.constant 16 : i32
    "tpu.region"() ({
      %run_scoped3A = tpu.sem_alloc : memref<!tpu.dma_semaphore, #tpu.memory_space<semaphore_mem>>
      %dma_start3A_853 = tpu.memref_slice %arg5[%mul3A_2] : memref<16384xf32, #tpu.memory_space<hbm>> -> memref<512xf32, #tpu.memory_space<hbm>>
      %dma_start3A_854 = tpu.memref_slice %arg5[%mul3A_2] : memref<16384xf32, #tpu.memory_space<hbm>> -> memref<512xf32, #tpu.memory_space<hbm>>
      tpu.enqueue_dma source(%arg10 : memref<512xf32, #tpu.memory_space<vmem>>) target(%dma_start3A_854 : memref<512xf32, #tpu.memory_space<hbm>>) target_semaphore(%run_scoped3A : memref<!tpu.dma_semaphore, #tpu.memory_space<semaphore_mem>>)
      %dma_wait3A_855 = tpu.memref_slice %arg5[%mul3A_2] : memref<16384xf32, #tpu.memory_space<hbm>> -> memref<512xf32, #tpu.memory_space<hbm>>
      %dma_wait3A_856 = tpu.memref_slice %arg5[%mul3A_2] : memref<16384xf32, #tpu.memory_space<hbm>> -> memref<512xf32, #tpu.memory_space<hbm>>
      tpu.wait_dma2 semaphore(%run_scoped3A : memref<!tpu.dma_semaphore, #tpu.memory_space<semaphore_mem>>) src(%arg10 : memref<512xf32, #tpu.memory_space<vmem>>) dst(%dma_wait3A_856 : memref<512xf32, #tpu.memory_space<hbm>>)
      tpu.yield
    }) : () -> ()
    return
  }
}

</mosaic_0001>

<sc_bundles>
// kernel: kernel.3.cloned.1.call-start
scs
__scs_entry_jumppad:
0x0: {  	(pc) =	sbr.rel $0x88, $3  }
0x1: {  	(tag) =	ssettag $0x0;
	lr =	simm.s32 $0x1  }
0x2: {  	[smem:$0x3F9E] =	sst lr;
	_ =	strace $0xD0000000  }
0x3: {  	_ = 	snop  }
0x4: {  	_ = 	snop  }
0x5: {  	_ = 	snop  }
0x6: {  	_ = 	snop  }
0x7: {  	_ = 	snop  }
__scs_overlays_trampoline_lowered:
0x8: {  	[smem:$0x3FAD] =	sst s0  }
0x9: {  	[smem:$0x3FAE] =	sst s1  }
0xa: {  	[smem:$0x3FAF] =	sst s2  }
0xb: {  	[smem:$0x3FB0] =	sst s3  }
0xc: {  	[smem:$0x3FB1] =	sst s4  }
0xd: {  	[smem:$0x3FB2] =	sst s5  }
0xe: {  	[smem:$0x3FB3] =	sst s6  }
0xf: {  	[smem:$0x3FB4] =	sst s7  }
0x10: {  	[smem:$0x3FB5] =	sst s8  }
0x11: {  	[smem:$0x3FB6] =	sst s9;
	s0 =	simm.s32 @!p0 $0x0  }
0x12: {  	s1 =	sld [smem:$0x3F9C];
	s0 =	simm.s32 @p0 $0x1  }
0x13: {  	[smem:$0x3FB7] =	sst s0;
	s0 =	simm.s32 @!p1 $0x0  }
0x14: {  	s2 =	sld [smem:$0x3F9B];
	s0 =	simm.s32 @p1 $0x1  }
0x15: {  	[smem:$0x3FB8] =	sst s0;
	s0 =	simm.s32 @!p2 $0x0  }
0x16: {  	s3 =	sld [smem:$0x3FDB];
	s0 =	simm.s32 @p2 $0x1  }
0x17: {  	s4 =	simm.s32 $0x1BF5;
	[smem:$0x3FBA] =	sst s0  }
0x18: {  	s0 =	sld [smem:$0x3F9D];
	_ =	swait.ge [sflag:s4], $0x0  }
0x19: {  	s7 =	sld [smem:$0x3F9E]  }
0x1a: {  	s8 =	sadd.s32 $0xFFFFE003, lr  }
0x1b: {  	s9 =	sadd.s32 $0xFFFFFEF7, lr;
	s5 =	simm.s32 $0xFFFFFFFF;
	p2 =	slt.u32 s8, $0xFFFFF086  }
0x1c: {  	p1 =	slt.u32 s9, $0xF7A;
	s5 =	simm.s32 @!p2 $0x0  }
0x1d: {  	s5 =	simm.s32 @p1 $0x1;
	p0 =	seq.s32 s7, s2  }
0x1e: {  	s7 =	smul.u32 @!p0 $0xF7A, s2;
	p2 =	seq.s32 @!p0 s5, $0x0  }
0x1f: {  	s9 =	smul.u32 $0xF7A, s1;
	s8 =	simm.s32 @!p0 $0x1BF5;
	p2 =	por !p2, p0  }
0x20: {  	[sflag:s8] =	ssyncset.s32 @!p0 $0xFFFFF086;
	s6 =	sadd.s32 @!p0 s3, s7;
	s7 =	simm.s32 @!p0 $0x108  }
0x21: {  	s3 =	sadd.s32 s3, s9;
	s6 =	sadd.s32 @!p0 $0x88, s6;
	s7 =	simm.s32 @p2 $0x1082  }
0x22: {  	[simem:s7], [sflag:s8] =	dma.local @!p0 [hbm:s6], $0xF7A  }
0x23: {  	s9 =	sor.u32 $0xD0000000, s2;
	s6 =	simm.s32 $0x108;
	_ =	swait.ge @!p0 [sflag:s8], $0x0  }
0x24: {  	s3 =	sadd.s32 $0x88, s3;
	s6 =	simm.s32 @!p1 $0x1082;
	[sflag:s4] =	ssyncset.s32 $0xFFFFF086  }
0x25: {  	[simem:s6], [sflag:s4] =	dma.local [hbm:s3], $0xF7A  }
0x26: {  	[smem:$0x3F9E] =	sst s1;
	(tag) =	ssettag s2;
	_ =	strace s9  }
0x27: {  	s1 =	sld [smem:$0x3FAE]  }
0x28: {  	s2 =	sld [smem:$0x3FAF]  }
0x29: {  	s4 =	sld [smem:$0x3FB1]  }
0x2a: {  	p0 =	seq.s32 s5, $0x0;
	s5 =	sld [smem:$0x3FB2]  }
0x2b: {  	s6 =	sld [smem:$0x3FB3]  }
0x2c: {  	s7 =	sld [smem:$0x3FB4]  }
0x2d: {  	s3 =	simm.s32 $0x108;
	s8 =	sld [smem:$0x3FB5]  }
0x2e: {  	s3 =	simm.s32 @!p0 $0x1082;
	s9 =	sld [smem:$0x3FB6]  }
0x2f: {  	lr =	sadd.s32 s0, s3;
	s0 =	sld [smem:$0x3FAD]  }
0x30: {  	s3 =	sld [smem:$0x3FB0]  }
0x31: {  	[smem:$0x3FB9] =	sst s10  }
0x32: {  	s10 =	sld [smem:$0x3FB7];
	_ =	sdelay $0x3  }
0x33: {  	p0 =	seq.s32 s10, $0x1;
	s10 =	sld [smem:$0x3FB9];
	_ =	sdelay $0x3  }
0x34: {  	[smem:$0x3FB9] =	sst s10  }
0x35: {  	s10 =	sld [smem:$0x3FB8];
	_ =	sdelay $0x3  }
0x36: {  	p1 =	seq.s32 s10, $0x1;
	s10 =	sld [smem:$0x3FB9];
	_ =	sdelay $0x3  }
0x37: {  	[smem:$0x3FB9] =	sst s10  }
0x38: {  	s10 =	sld [smem:$0x3FBA]  }
0x39: {  	_ = 	snop;
	(pc) =	sbr.ind lr, $3  }
0x3a: {  	_ = 	snop  }
0x3b: {  	_ = 	snop  }
0x3c: {  	p2 =	seq.s32 s10, $0x1;
	s10 =	sld [smem:$0x3FB9]  }
0x3d: {  	_ =	shalt  }
0x3e: {  	_ =	shalt  }
0x3f: {  	_ =	shalt  }
0x40: {  	_ =	shalt  }
0x41: {  	_ =	shalt  }
0x42: {  	_ =	shalt  }
0x43: {  	_ =	shalt  }
0x44: {  	_ =	shalt  }
0x45: {  	_ =	shalt  }
0x46: {  	_ =	shalt  }
0x47: {  	_ =	shalt  }
0x48: {  	_ =	shalt  }
0x49: {  	_ =	shalt  }
0x4a: {  	_ =	shalt  }
0x4b: {  	_ =	shalt  }
0x4c: {  	_ =	shalt  }
0x4d: {  	_ =	shalt  }
0x4e: {  	_ =	shalt  }
0x4f: {  	_ =	shalt  }
0x50: {  	_ =	shalt  }
0x51: {  	_ =	shalt  }
0x52: {  	_ =	shalt  }
0x53: {  	_ =	shalt  }
0x54: {  	_ =	shalt  }
0x55: {  	_ =	shalt  }
0x56: {  	_ =	shalt  }
0x57: {  	_ =	shalt  }
0x58: {  	_ =	shalt  }
0x59: {  	_ =	shalt  }
0x5a: {  	_ =	shalt  }
0x5b: {  	_ =	shalt  }
0x5c: {  	_ =	shalt  }
0x5d: {  	_ =	shalt  }
0x5e: {  	_ =	shalt  }
0x5f: {  	_ =	shalt  }
0x60: {  	_ =	shalt  }
0x61: {  	_ =	shalt  }
0x62: {  	_ =	shalt  }
0x63: {  	_ =	shalt  }
0x64: {  	_ =	shalt  }
0x65: {  	_ =	shalt  }
0x66: {  	_ =	shalt  }
0x67: {  	_ =	shalt  }
0x68: {  	_ =	shalt  }
0x69: {  	_ =	shalt  }
0x6a: {  	_ =	shalt  }
0x6b: {  	_ =	shalt  }
0x6c: {  	_ =	shalt  }
0x6d: {  	_ =	shalt  }
0x6e: {  	_ =	shalt  }
0x6f: {  	_ =	shalt  }
0x70: {  	_ =	shalt  }
0x71: {  	_ =	shalt  }
0x72: {  	_ =	shalt  }
0x73: {  	_ =	shalt  }
0x74: {  	_ =	shalt  }
0x75: {  	_ =	shalt  }
0x76: {  	_ =	shalt  }
0x77: {  	_ =	shalt  }
0x78: {  	_ =	shalt  }
0x79: {  	_ =	shalt  }
0x7a: {  	_ =	shalt  }
0x7b: {  	_ =	shalt  }
0x7c: {  	_ =	shalt  }
0x7d: {  	_ =	shalt  }
0x7e: {  	_ =	shalt  }
0x7f: {  	_ =	shalt  }
0x80: {  	_ =	shalt  }
0x81: {  	_ =	shalt  }
0x82: {  	_ =	shalt  }
0x83: {  	_ =	shalt  }
0x84: {  	_ =	shalt  }
0x85: {  	_ =	shalt  }
0x86: {  	_ =	shalt  }
0x87: {  	_ =	shalt  }
.Lfunc_end0:
.L_simem_size_0:
called_computation_lowered:
.L_overlay_start_0:
0x88: {  	s2 =	sld [smem:$0x3FD9]  }
0x89: {  	s3 =	sld [smem:$0x3FFE];
	_ =	sdelay $0x1  }
0x8a: {  	s1 =	srdreg.scid  }
0x8b: {  	s0 =	sand.u32 $0x1, s1  }
0x8c: {  	s17 =	sshll.u32 s0, $0xA;
	s2 =	sadd.s32 s3, s2  }
0x8d: {  	s2 =	sadd.s32 s2, s17  }
0x8e: {  	[smem:$0x3FC5] =	sst s2  }
0x8f: {  	_ = 	snop  }
0x90: {  	s2 =	sld [smem:$0x3FD0];
	(tm) =	ssettm $0x1  }
0x91: {  	s18 =	sld [smem:$0x3FFB];
	_ =	sdelay $0x3  }
0x92: {  	_ =	strace s18  }
0x93: {  	s3 =	sld [smem:$0x3FFC];
	_ =	sdelay $0x3  }
0x94: {  	_ =	strace s3  }
0x95: {  	s3 =	sld [smem:$0x3FFD];
	_ =	sdelay $0x3  }
0x96: {  	_ =	strace s3  }
0x97: {  	_ =	strace $0x8FFFFFFF  }
0x98: {  	s19 =	sld [smem:$0x3FDB];
	_ =	sdelay $0x1  }
0x99: {  	s4 =	simm.s32 $_scs_section_size  }
0x9a: {  	s5 =	simm.s32 $_size__tile_overlayer_lowered;
	s6 =	simm.s32 $_tile_overlayer_lowered  }
0x9b: {  	s22 =	simm.s32 $0x1BFF;
	s21 =	sshll.u32 s6, $0x1;
	s3 =	sadd.s32 s4, s19  }
0x9c: {  	s7 =	simm.s32 $0x0;
	s20 =	sshll.u32 s5, $0x1;
	s5 =	sadd.s32 s21, s3  }
0x9d: {  	[timem:s7], [sflag:s22] =	dma.local [hbm:s5], s20  }
0x9e: {  	_ =	swait.ge [sflag:s22], s20  }
0x9f: {  	s4 =	ssub.s32 $0x0, s20;
	[sflag:s22] =	ssyncset.done $0x0  }
0xa0: {  	[sflag:s22] =	ssyncadd.s32 s4;
	_ =	sdelay $0x1  }
0xa1: {  	s23 =	simm.s32 $0x1B8B  }
0xa2: {  	_ =	swait.ge [sflag:s23], $0x1  }
0xa3: {  	[sflag:s23] =	ssyncset.done $0x0  }
0xa4: {  	s25 =	simm.s32 $0x1B8E;
	s24 =	sld [smem:$0x3FFE];
	[sflag:s23] =	ssyncadd.s32 $0xFFFFFFFF  }
0xa5: {  	s26 =	simm.s32 $execute0_lowered;
	[smem:$0x3FD2] =	sst s25  }
0xa6: {  	s5 =	sshll.u32 s26, $0x1;
	_ =	strace $0x80000046;
	[dreg:$0x1] =	wrdreg $0xFFFFFFFF  }
0xa7: {  	s28 =	simm.s32 $_size_execute0_lowered;
	s3 =	sadd.s32 s3, s5;
	[dreg:$0x0] =	wrdreg $0x0  }
0xa8: {  	s5 =	sshll.u32 s28, $0x1;
	[dreg:$0x2] =	wrdreg s3  }
0xa9: {  	[dreg:$0x3] =	wrdreg s5  }
0xaa: {  	[dreg:$0x4] =	wrdreg $0xC0  }
0xab: {  	_ =	task [dreg:s7], $0x5FFFF  }
0xac: {  	[dreg:$0x1] =	wrdreg $0xFFFFFFFF  }
0xad: {  	[dreg:$0x0] =	wrdreg $0x60  }
0xae: {  	[dreg:$0x2] =	wrdreg s24  }
0xaf: {  	[dreg:$0x3] =	wrdreg s2  }
0xb0: {  	[dreg:$0x4] =	wrdreg $0x9  }
0xb1: {  	_ =	task.clear_ibuf [dreg:s7], $0x5FFFF;
	_ =	strace $0x90000046  }
0xb2: {  	s29 =	simm.s32 $0x9;
	_ =	strace $0x80000048  }
0xb3: {  	_ =	swait.ge [sflag:s29], $0x1  }
0xb4: {  	[sflag:s29] =	ssyncadd.s32 $0xFFFFFFFF  }
0xb5: {  	_ =	strace $0x90000048  }
0xb6: {  	_ =	sfence  }
0xb7: {  	s30 =	sld [smem:$0x0];
	_ =	sdelay $0x2  }
0xb8: {  	s31 =	sshll.u32 s1, $0xD;
	s1 =	sshrl.u32 s1, $0x2  }
0xb9: {  	s3 =	sand.u32 $0x4000, s31;
	s1 =	sadd.s32 s1, s30  }
0xba: {  	s0 =	sor.u32 s3, s0;
	s1 =	sshll.u32 s1, $0x11  }
0xbb: {  	s0 =	sor.u32 s1, s0  }
0xbc: {  	s0 =	sadd.s32 $0x8F2B, s0  }
0xbd: {  	[sflag:s0] =	ssyncadd.remote.s32 $0x1  }
0xbe: {  	_ =	sfence.sel $0xFFFF  }
0xbf: {  	[dreg:$0x0] =	wrdreg $0xFFFFFFFF;
	(pc) =	sbr.abs _section_cstart, $3  }
0xc0: {  	[dreg:$0x1] =	wrdreg $0xFFFFFFFF  }
0xc1: {  	_ =	task.clear_ibuf [dreg:s7], $0x2FFFF;
	_ =	strace $0x9FFFFFFF  }
0xc2: {  	(tm) =	ssettm $0x7FFFFFFF  }
0xc3: {  	_ =	shalt  }
tec
execute0_lowered:
.L_overlay_start_1:
0x0: {  	(tag) =	ssettag $0x1  }
0x1: {  	s0 =	rddreg [dreg:$0x0];
	s2 =	srdreg.scid  }
0x2: {  	s1 =	rddreg [dreg:$0x1];
	s4 =	stileid.u32;
	s3 =	sand.u32 $0x1, s2  }
0x3: {  	s2 =	simm.s32 $0x0;
	s4 =	sshll.u32 s4, $0x7;
	s5 =	sshll.u32 s3, $0x6  }
0x4: {  	[smem:$0x7FF] =	sst s2;
	s9 =	ssub.s32 $0x2, s3;
	s4 =	sor.u32 s5, s4  }
0x5: {  	s3 =	sadd.s32 $0xD400, s0;
	s6 =	sadd.s32 s4, s0;
	s0 =	sadd.s32 $0x2D000, s0  }
0x6: {  	_ =	strace $0x80000047;
	s1 =	sadd.s32 s1, s4;
	[dreg:$0x3] =	wrdreg s0  }
0x7: {  	s10 =	sadd.s32 $0x400, s6;
	[dreg:$0x15] =	wrdreg s1  }
0x8: {  	s11 =	sadd.s32 $0xC00, s6;
	[dreg:$0x4] =	wrdreg s10  }
0x9: {  	s12 =	sadd.s32 $0x1400, s6;
	[dreg:$0x5] =	wrdreg s11  }
0xa: {  	s13 =	sadd.s32 $0x1C00, s6;
	[dreg:$0x6] =	wrdreg s12  }
0xb: {  	s14 =	sadd.s32 $0x2400, s6;
	[dreg:$0x7] =	wrdreg s13  }
0xc: {  	s15 =	sadd.s32 $0x2C00, s6;
	[dreg:$0x8] =	wrdreg s14  }
0xd: {  	s16 =	sadd.s32 $0x3400, s6;
	[dreg:$0x9] =	wrdreg s15  }
0xe: {  	s17 =	sadd.s32 $0x3C00, s6;
	[dreg:$0xa] =	wrdreg s16  }
0xf: {  	s18 =	sadd.s32 $0x4400, s6;
	[dreg:$0xb] =	wrdreg s17  }
0x10: {  	s19 =	sadd.s32 $0x4C00, s6;
	[dreg:$0xc] =	wrdreg s18  }
0x11: {  	s20 =	sadd.s32 $0x5400, s6;
	[dreg:$0xd] =	wrdreg s19  }
0x12: {  	s21 =	sadd.s32 $0x5C00, s6;
	[dreg:$0xe] =	wrdreg s20  }
0x13: {  	s22 =	sadd.s32 $0x6400, s6;
	[dreg:$0xf] =	wrdreg s21  }
0x14: {  	s23 =	sadd.s32 $0x6C00, s6;
	[dreg:$0x10] =	wrdreg s22  }
0x15: {  	s24 =	sadd.s32 $0x7400, s6;
	[dreg:$0x11] =	wrdreg s23  }
0x16: {  	s25 =	sadd.s32 $0x7C00, s6;
	[dreg:$0x12] =	wrdreg s24  }
0x17: {  	s7 =	sshrl.u32 s9, $0x1;
	s26 =	sadd.s32 $0x8400, s6;
	[dreg:$0x13] =	wrdreg s25  }
0x18: {  	s0 =	ssub.s32 s9, s7;
	s7 =	sadd.s32 $0x8C00, s6;
	[dreg:$0x14] =	wrdreg s26  }
0x19: {  	s8 =	sadd.s32 $0x9400, s6;
	[dreg:$0x16] =	wrdreg s7  }
0x1a: {  	s9 =	sadd.s32 $0x9C00, s6;
	[dreg:$0x17] =	wrdreg s8  }
0x1b: {  	[dreg:$0x18] =	wrdreg s9;
	s10 =	sadd.s32 $0xA400, s6  }
0x1c: {  	s11 =	sadd.s32 $0xAC00, s6;
	[dreg:$0x19] =	wrdreg s10  }
0x1d: {  	s12 =	sadd.s32 $0xB400, s6;
	[dreg:$0x1a] =	wrdreg s11  }
0x1e: {  	s13 =	sadd.s32 $0xBC00, s6;
	[dreg:$0x1b] =	wrdreg s12  }
0x1f: {  	s14 =	sadd.s32 $0xC400, s6;
	[dreg:$0x1c] =	wrdreg s13  }
0x20: {  	s15 =	sadd.s32 $0xCC00, s6;
	[dreg:$0x1d] =	wrdreg s14  }
0x21: {  	s16 =	sadd.s32 $0x420, s6;
	[dreg:$0x1e] =	wrdreg s15  }
0x22: {  	s31 =	simm.s32 $0x5;
	s17 =	sadd.s32 $0xC20, s6;
	[dreg:$0x1f] =	wrdreg s16  }
0x23: {  	s5 =	simm.s32 $0x2;
	s18 =	sadd.s32 $0x1420, s6;
	[smem:$0x7F4] =	sst s17  }
0x24: {  	s4 =	simm.s32 $0x3;
	s19 =	sadd.s32 $0x1C20, s6;
	[smem:$0x7F5] =	sst s18  }
0x25: {  	s28 =	sadd.s32 $0xC420, s6;
	s20 =	sadd.s32 $0x2420, s6;
	[smem:$0x7F6] =	sst s19  }
0x26: {  	s29 =	sadd.s32 $0xCC20, s6;
	s21 =	sadd.s32 $0x2C20, s6;
	[smem:$0x7F7] =	sst s20  }
0x27: {  	s1 =	simm.s32 $0x1A00;
	s22 =	sadd.s32 $0x3420, s6;
	[smem:$0x7F8] =	sst s21  }
0x28: {  	s23 =	sadd.s32 $0x3C20, s6;
	s24 =	sadd.s32 $0x4420, s6;
	[smem:$0x7F9] =	sst s22  }
0x29: {  	s25 =	sadd.s32 $0x4C20, s6;
	s26 =	sadd.s32 $0x5420, s6;
	[smem:$0x7FA] =	sst s23  }
0x2a: {  	s30 =	smax.u32 s0, $0x1;
	s0 =	simm.s32 $0x1;
	[smem:$0x7FB] =	sst s24  }
0x2b: {  	s7 =	simm.s32 $0x6800;
	s8 =	simm.s32 $0x0;
	[smem:$0x7FC] =	sst s25  }
0x2c: {  	[smem:$0x7FD] =	sst s26;
	s14 =	sadd.s32 $0x5C20, s6;
	s15 =	sadd.s32 $0x6420, s6  }
0x2d: {  	s16 =	sadd.s32 $0x6C20, s6;
	s17 =	sadd.s32 $0x7420, s6;
	s18 =	sadd.s32 $0x7C20, s6  }
0x2e: {  	s19 =	sadd.s32 $0x8420, s6;
	s20 =	sadd.s32 $0x8C20, s6;
	s21 =	sadd.s32 $0x9420, s6  }
0x2f: {  	s22 =	sadd.s32 $0x9C20, s6;
	s23 =	sadd.s32 $0xA420, s6;
	s24 =	sadd.s32 $0xAC20, s6  }
0x30: {  	s25 =	sadd.s32 $0xB420, s6;
	s26 =	sadd.s32 $0xBC20, s6;
	s6 =	simm.s32 $0x4  }
.LBB2_1:
0x31: {  	s9 =	rddreg [dreg:$0x4]  }
0x32: {  	[tilespmem:s2], [sflag:$0x1] =	stream.linear.gather [hbm4b:s9+s2], $0x100, $0x38;
	[tilespmem:$0x6A80] =	vst v63  }
0x33: {  	s13 =	rddreg [dreg:$0x5];
	s10 =	simm.s32 $0x100  }
0x34: {  	[tilespmem:s10], [sflag:$0x1] =	stream.linear.gather [hbm4b:s13+s2], $0x100, $0x38;
	[tilespmem:$0x6A80] =	vst v63  }
0x35: {  	s11 =	simm.s32 $0x200;
	s10 =	rddreg [dreg:$0x6]  }
0x36: {  	[tilespmem:s11], [sflag:$0x1] =	stream.linear.gather [hbm4b:s10+s2], $0x100, $0x38;
	[tilespmem:$0x6A80] =	vst v63  }
0x37: {  	s12 =	rddreg [dreg:$0x7];
	s13 =	simm.s32 $0x300  }
0x38: {  	[tilespmem:s13], [sflag:$0x1] =	stream.linear.gather [hbm4b:s12+s2], $0x100, $0x38;
	[tilespmem:$0x6A80] =	vst v63  }
0x39: {  	s10 =	rddreg [dreg:$0x8];
	s11 =	simm.s32 $0x400  }
0x3a: {  	[tilespmem:s11], [sflag:$0x1] =	stream.linear.gather [hbm4b:s10+s2], $0x100, $0x38;
	[tilespmem:$0x6A80] =	vst v63  }
0x3b: {  	s12 =	rddreg [dreg:$0x9];
	s13 =	simm.s32 $0x500  }
0x3c: {  	[tilespmem:s13], [sflag:$0x1] =	stream.linear.gather [hbm4b:s12+s2], $0x100, $0x38;
	[tilespmem:$0x6A80] =	vst v63  }
0x3d: {  	s10 =	rddreg [dreg:$0xa];
	s11 =	simm.s32 $0x600  }
0x3e: {  	[tilespmem:s11], [sflag:$0x1] =	stream.linear.gather [hbm4b:s10+s2], $0x100, $0x38;
	[tilespmem:$0x6A80] =	vst v63  }
0x3f: {  	s12 =	rddreg [dreg:$0xb];
	s13 =	simm.s32 $0x700  }
0x40: {  	[tilespmem:s13], [sflag:$0x1] =	stream.linear.gather [hbm4b:s12+s2], $0x100, $0x38;
	[tilespmem:$0x6A80] =	vst v63  }
0x41: {  	s10 =	rddreg [dreg:$0xc];
	s11 =	simm.s32 $0x800  }
0x42: {  	[tilespmem:s11], [sflag:$0x1] =	stream.linear.gather [hbm4b:s10+s2], $0x100, $0x38;
	[tilespmem:$0x6A80] =	vst v63  }
0x43: {  	s12 =	rddreg [dreg:$0xd];
	s13 =	simm.s32 $0x900  }
0x44: {  	[tilespmem:s13], [sflag:$0x1] =	stream.linear.gather [hbm4b:s12+s2], $0x100, $0x38;
	[tilespmem:$0x6A80] =	vst v63  }
0x45: {  	s10 =	rddreg [dreg:$0xe];
	s11 =	simm.s32 $0xA00  }
0x46: {  	[tilespmem:s11], [sflag:$0x1] =	stream.linear.gather [hbm4b:s10+s2], $0x100, $0x38;
	[tilespmem:$0x6A80] =	vst v63  }
0x47: {  	s12 =	rddreg [dreg:$0xf];
	s13 =	simm.s32 $0xB00  }
0x48: {  	[tilespmem:s13], [sflag:$0x1] =	stream.linear.gather [hbm4b:s12+s2], $0x100, $0x38;
	[tilespmem:$0x6A80] =	vst v63  }
0x49: {  	s10 =	rddreg [dreg:$0x10];
	s11 =	simm.s32 $0xC00  }
0x4a: {  	[tilespmem:s11], [sflag:$0x1] =	stream.linear.gather [hbm4b:s10+s2], $0x100, $0x38;
	[tilespmem:$0x6A80] =	vst v63  }
0x4b: {  	s12 =	rddreg [dreg:$0x11];
	s13 =	simm.s32 $0xD00  }
0x4c: {  	[tilespmem:s13], [sflag:$0x1] =	stream.linear.gather [hbm4b:s12+s2], $0x100, $0x38;
	[tilespmem:$0x6A80] =	vst v63  }
0x4d: {  	s10 =	rddreg [dreg:$0x12];
	s11 =	simm.s32 $0xE00  }
0x4e: {  	[tilespmem:s11], [sflag:$0x1] =	stream.linear.gather [hbm4b:s10+s2], $0x100, $0x38;
	[tilespmem:$0x6A80] =	vst v63  }
0x4f: {  	s12 =	rddreg [dreg:$0x13];
	s13 =	simm.s32 $0xF00  }
0x50: {  	[tilespmem:s13], [sflag:$0x1] =	stream.linear.gather [hbm4b:s12+s2], $0x100, $0x38;
	[tilespmem:$0x6A80] =	vst v63  }
0x51: {  	s10 =	rddreg [dreg:$0x14];
	s11 =	simm.s32 $0x1000  }
0x52: {  	[tilespmem:s11], [sflag:$0x1] =	stream.linear.gather [hbm4b:s10+s2], $0x100, $0x38;
	[tilespmem:$0x6A80] =	vst v63  }
0x53: {  	s12 =	rddreg [dreg:$0x16];
	s13 =	simm.s32 $0x1100  }
0x54: {  	[tilespmem:s13], [sflag:$0x1] =	stream.linear.gather [hbm4b:s12+s2], $0x100, $0x38;
	[tilespmem:$0x6A80] =	vst v63  }
0x55: {  	s10 =	rddreg [dreg:$0x17];
	s11 =	simm.s32 $0x1200  }
0x56: {  	[tilespmem:s11], [sflag:$0x1] =	stream.linear.gather [hbm4b:s10+s2], $0x100, $0x38;
	[tilespmem:$0x6A80] =	vst v63  }
0x57: {  	s12 =	rddreg [dreg:$0x18];
	s13 =	simm.s32 $0x1300  }
0x58: {  	[tilespmem:s13], [sflag:$0x1] =	stream.linear.gather [hbm4b:s12+s2], $0x100, $0x38;
	[tilespmem:$0x6A80] =	vst v63  }
0x59: {  	s10 =	rddreg [dreg:$0x19];
	s11 =	simm.s32 $0x1400  }
0x5a: {  	[tilespmem:s11], [sflag:$0x1] =	stream.linear.gather [hbm4b:s10+s2], $0x100, $0x38;
	[tilespmem:$0x6A80] =	vst v63  }
0x5b: {  	s12 =	rddreg [dreg:$0x1a];
	s13 =	simm.s32 $0x1500  }
0x5c: {  	[tilespmem:s13], [sflag:$0x1] =	stream.linear.gather [hbm4b:s12+s2], $0x100, $0x38;
	[tilespmem:$0x6A80] =	vst v63  }
0x5d: {  	s10 =	rddreg [dreg:$0x1b];
	s11 =	simm.s32 $0x1600  }
0x5e: {  	[tilespmem:s11], [sflag:$0x1] =	stream.linear.gather [hbm4b:s10+s2], $0x100, $0x38;
	[tilespmem:$0x6A80] =	vst v63  }
0x5f: {  	s12 =	rddreg [dreg:$0x1c];
	s13 =	simm.s32 $0x1700  }
0x60: {  	[tilespmem:s13], [sflag:$0x1] =	stream.linear.gather [hbm4b:s12+s2], $0x100, $0x38;
	[tilespmem:$0x6A80] =	vst v63  }
0x61: {  	s10 =	rddreg [dreg:$0x1d];
	s11 =	simm.s32 $0x1800  }
0x62: {  	[tilespmem:s11], [sflag:$0x1] =	stream.linear.gather [hbm4b:s10+s2], $0x100, $0x38;
	[tilespmem:$0x6A80] =	vst v63  }
0x63: {  	s12 =	rddreg [dreg:$0x1e];
	s13 =	simm.s32 $0x1900  }
0x64: {  	[tilespmem:s13], [sflag:$0x1] =	stream.linear.gather [hbm4b:s12+s2], $0x100, $0x38;
	[tilespmem:$0x6A80] =	vst v63  }
0x65: {  	s10 =	rddreg [dreg:$0x3];
	s11 =	simm.s32 $0x6A00  }
0x66: {  	[tilespmem:s11], [sflag:$0x5] =	stream.linear.gather [hbm4b:s10+s2], $0x80, $0x38;
	[tilespmem:$0x6A80] =	vst v63  }
0x67: {  	_ =	swait.ge [sflag:s31], $0x80  }
0x68: {  	[sflag:s31] =	ssyncset.done $0x0  }
0x69: {  	[sflag:s31] =	ssyncadd.s32 $0xFFFFFF80  }
0x6a: {  	_ =	swait.ge [sflag:s0], $0x100  }
0x6b: {  	[sflag:s0] =	ssyncset.done $0x0  }
0x6c: {  	[sflag:s0] =	ssyncadd.s32 $0xFFFFFF00  }
0x6d: {  	_ =	swait.ge [sflag:s0], $0x100  }
0x6e: {  	[sflag:s0] =	ssyncset.done $0x0  }
0x6f: {  	[sflag:s0] =	ssyncadd.s32 $0xFFFFFF00  }
0x70: {  	_ =	swait.ge [sflag:s0], $0x100  }
0x71: {  	[sflag:s0] =	ssyncset.done $0x0  }
0x72: {  	[sflag:s0] =	ssyncadd.s32 $0xFFFFFF00  }
0x73: {  	_ =	swait.ge [sflag:s0], $0x100  }
0x74: {  	[sflag:s0] =	ssyncset.done $0x0  }
0x75: {  	[sflag:s0] =	ssyncadd.s32 $0xFFFFFF00  }
0x76: {  	_ =	swait.ge [sflag:s0], $0x100  }
0x77: {  	[sflag:s0] =	ssyncset.done $0x0  }
0x78: {  	[sflag:s0] =	ssyncadd.s32 $0xFFFFFF00  }
0x79: {  	_ =	swait.ge [sflag:s0], $0x100  }
0x7a: {  	[sflag:s0] =	ssyncset.done $0x0  }
0x7b: {  	[sflag:s0] =	ssyncadd.s32 $0xFFFFFF00  }
0x7c: {  	_ =	swait.ge [sflag:s0], $0x100  }
0x7d: {  	[sflag:s0] =	ssyncset.done $0x0  }
0x7e: {  	[sflag:s0] =	ssyncadd.s32 $0xFFFFFF00  }
0x7f: {  	_ =	swait.ge [sflag:s0], $0x100  }
0x80: {  	[sflag:s0] =	ssyncset.done $0x0  }
0x81: {  	[sflag:s0] =	ssyncadd.s32 $0xFFFFFF00  }
0x82: {  	_ =	swait.ge [sflag:s0], $0x100  }
0x83: {  	[sflag:s0] =	ssyncset.done $0x0  }
0x84: {  	[sflag:s0] =	ssyncadd.s32 $0xFFFFFF00  }
0x85: {  	_ =	swait.ge [sflag:s0], $0x100  }
0x86: {  	[sflag:s0] =	ssyncset.done $0x0  }
0x87: {  	[sflag:s0] =	ssyncadd.s32 $0xFFFFFF00  }
0x88: {  	_ =	swait.ge [sflag:s0], $0x100  }
0x89: {  	[sflag:s0] =	ssyncset.done $0x0  }
0x8a: {  	[sflag:s0] =	ssyncadd.s32 $0xFFFFFF00  }
0x8b: {  	_ =	swait.ge [sflag:s0], $0x100  }
0x8c: {  	[sflag:s0] =	ssyncset.done $0x0  }
0x8d: {  	[sflag:s0] =	ssyncadd.s32 $0xFFFFFF00  }
0x8e: {  	_ =	swait.ge [sflag:s0], $0x100  }
0x8f: {  	[sflag:s0] =	ssyncset.done $0x0  }
0x90: {  	[sflag:s0] =	ssyncadd.s32 $0xFFFFFF00  }
0x91: {  	_ =	swait.ge [sflag:s0], $0x100  }
0x92: {  	[sflag:s0] =	ssyncset.done $0x0  }
0x93: {  	[sflag:s0] =	ssyncadd.s32 $0xFFFFFF00  }
0x94: {  	_ =	swait.ge [sflag:s0], $0x100  }
0x95: {  	[sflag:s0] =	ssyncset.done $0x0  }
0x96: {  	[sflag:s0] =	ssyncadd.s32 $0xFFFFFF00  }
0x97: {  	_ =	swait.ge [sflag:s0], $0x100  }
0x98: {  	[sflag:s0] =	ssyncset.done $0x0  }
0x99: {  	[sflag:s0] =	ssyncadd.s32 $0xFFFFFF00  }
0x9a: {  	_ =	swait.ge [sflag:s0], $0x100  }
0x9b: {  	[sflag:s0] =	ssyncset.done $0x0  }
0x9c: {  	[sflag:s0] =	ssyncadd.s32 $0xFFFFFF00  }
0x9d: {  	_ =	swait.ge [sflag:s0], $0x100  }
0x9e: {  	[sflag:s0] =	ssyncset.done $0x0  }
0x9f: {  	[sflag:s0] =	ssyncadd.s32 $0xFFFFFF00  }
0xa0: {  	_ =	swait.ge [sflag:s0], $0x100  }
0xa1: {  	[sflag:s0] =	ssyncset.done $0x0  }
0xa2: {  	[sflag:s0] =	ssyncadd.s32 $0xFFFFFF00  }
0xa3: {  	_ =	swait.ge [sflag:s0], $0x100  }
0xa4: {  	[sflag:s0] =	ssyncset.done $0x0  }
0xa5: {  	[sflag:s0] =	ssyncadd.s32 $0xFFFFFF00  }
0xa6: {  	_ =	swait.ge [sflag:s0], $0x100  }
0xa7: {  	[sflag:s0] =	ssyncset.done $0x0  }
0xa8: {  	[sflag:s0] =	ssyncadd.s32 $0xFFFFFF00  }
0xa9: {  	_ =	swait.ge [sflag:s0], $0x100  }
0xaa: {  	[sflag:s0] =	ssyncset.done $0x0  }
0xab: {  	[sflag:s0] =	ssyncadd.s32 $0xFFFFFF00  }
0xac: {  	_ =	swait.ge [sflag:s0], $0x100  }
0xad: {  	[sflag:s0] =	ssyncset.done $0x0  }
0xae: {  	[sflag:s0] =	ssyncadd.s32 $0xFFFFFF00  }
0xaf: {  	_ =	swait.ge [sflag:s0], $0x100  }
0xb0: {  	[sflag:s0] =	ssyncset.done $0x0  }
0xb1: {  	[sflag:s0] =	ssyncadd.s32 $0xFFFFFF00  }
0xb2: {  	_ =	swait.ge [sflag:s0], $0x100  }
0xb3: {  	[sflag:s0] =	ssyncset.done $0x0  }
0xb4: {  	[sflag:s0] =	ssyncadd.s32 $0xFFFFFF00  }
0xb5: {  	_ =	swait.ge [sflag:s0], $0x100  }
0xb6: {  	[sflag:s0] =	ssyncset.done $0x0  }
0xb7: {  	s9 =	simm.s32 $0x3400;
	s12 =	rddreg [dreg:$0x1f];
	[sflag:s0] =	ssyncadd.s32 $0xFFFFFF00  }
0xb8: {  	[tilespmem:s9], [sflag:$0x3] =	stream.indirect.gather [hbm4b:s3+s1], $0x1, s2, s1, $0xb8;
	[tilespmem:$0x6A80] =	vst v63  }
0xb9: {  	s13 =	sld [smem:$0x7F4]  }
0xba: {  	[tilespmem:s1], [sflag:$0x2] =	stream.linear.gather [hbm4b:s12+s2], $0x100, $0x38;
	[tilespmem:$0x6A80] =	vst v63  }
0xbb: {  	s11 =	simm.s32 $0x1B00;
	s12 =	sld [smem:$0x7F5]  }
0xbc: {  	[tilespmem:s11], [sflag:$0x2] =	stream.linear.gather [hbm4b:s13+s2], $0x100, $0x38;
	[tilespmem:$0x6A80] =	vst v63  }
0xbd: {  	s13 =	simm.s32 $0x1C00  }
0xbe: {  	[tilespmem:s13], [sflag:$0x2] =	stream.linear.gather [hbm4b:s12+s2], $0x100, $0x38;
	[tilespmem:$0x6A80] =	vst v63  }
0xbf: {  	s12 =	sld [smem:$0x7F6];
	_ =	sdelay $0x1  }
0xc0: {  	s13 =	simm.s32 $0x1D00  }
0xc1: {  	[tilespmem:s13], [sflag:$0x2] =	stream.linear.gather [hbm4b:s12+s2], $0x100, $0x38;
	[tilespmem:$0x6A80] =	vst v63  }
0xc2: {  	s12 =	sld [smem:$0x7F7];
	_ =	sdelay $0x1  }
0xc3: {  	s13 =	simm.s32 $0x1E00  }
0xc4: {  	[tilespmem:s13], [sflag:$0x2] =	stream.linear.gather [hbm4b:s12+s2], $0x100, $0x38;
	[tilespmem:$0x6A80] =	vst v63  }
0xc5: {  	s12 =	sld [smem:$0x7F8];
	_ =	sdelay $0x1  }
0xc6: {  	s13 =	simm.s32 $0x1F00  }
0xc7: {  	[tilespmem:s13], [sflag:$0x2] =	stream.linear.gather [hbm4b:s12+s2], $0x100, $0x38;
	[tilespmem:$0x6A80] =	vst v63  }
0xc8: {  	s12 =	sld [smem:$0x7F9];
	_ =	sdelay $0x1  }
0xc9: {  	s13 =	simm.s32 $0x2000  }
0xca: {  	[tilespmem:s13], [sflag:$0x2] =	stream.linear.gather [hbm4b:s12+s2], $0x100, $0x38;
	[tilespmem:$0x6A80] =	vst v63  }
0xcb: {  	s12 =	sld [smem:$0x7FA];
	_ =	sdelay $0x1  }
0xcc: {  	s13 =	simm.s32 $0x2100  }
0xcd: {  	[tilespmem:s13], [sflag:$0x2] =	stream.linear.gather [hbm4b:s12+s2], $0x100, $0x38;
	[tilespmem:$0x6A80] =	vst v63  }
0xce: {  	s12 =	sld [smem:$0x7FB];
	_ =	sdelay $0x1  }
0xcf: {  	s13 =	simm.s32 $0x2200  }
0xd0: {  	[tilespmem:s13], [sflag:$0x2] =	stream.linear.gather [hbm4b:s12+s2], $0x100, $0x38;
	[tilespmem:$0x6A80] =	vst v63  }
0xd1: {  	s12 =	sld [smem:$0x7FC];
	_ =	sdelay $0x1  }
0xd2: {  	s13 =	simm.s32 $0x2300  }
0xd3: {  	[tilespmem:s13], [sflag:$0x2] =	stream.linear.gather [hbm4b:s12+s2], $0x100, $0x38;
	[tilespmem:$0x6A80] =	vst v63  }
0xd4: {  	s12 =	sld [smem:$0x7FD];
	_ =	sdelay $0x1  }
0xd5: {  	s13 =	simm.s32 $0x2400  }
0xd6: {  	[tilespmem:s13], [sflag:$0x2] =	stream.linear.gather [hbm4b:s12+s2], $0x100, $0x38;
	[tilespmem:$0x6A80] =	vst v63  }
0xd7: {  	s12 =	simm.s32 $0x2500  }
0xd8: {  	[tilespmem:s12], [sflag:$0x2] =	stream.linear.gather [hbm4b:s14+s2], $0x100, $0x38;
	[tilespmem:$0x6A80] =	vst v63  }
0xd9: {  	s13 =	simm.s32 $0x2600  }
0xda: {  	[tilespmem:s13], [sflag:$0x2] =	stream.linear.gather [hbm4b:s15+s2], $0x100, $0x38;
	[tilespmem:$0x6A80] =	vst v63  }
0xdb: {  	s11 =	simm.s32 $0x2700  }
0xdc: {  	[tilespmem:s11], [sflag:$0x2] =	stream.linear.gather [hbm4b:s16+s2], $0x100, $0x38;
	[tilespmem:$0x6A80] =	vst v63  }
0xdd: {  	s12 =	simm.s32 $0x2800  }
0xde: {  	[tilespmem:s12], [sflag:$0x2] =	stream.linear.gather [hbm4b:s17+s2], $0x100, $0x38;
	[tilespmem:$0x6A80] =	vst v63  }
0xdf: {  	s13 =	simm.s32 $0x2900  }
0xe0: {  	[tilespmem:s13], [sflag:$0x2] =	stream.linear.gather [hbm4b:s18+s2], $0x100, $0x38;
	[tilespmem:$0x6A80] =	vst v63  }
0xe1: {  	s11 =	simm.s32 $0x2A00  }
0xe2: {  	[tilespmem:s11], [sflag:$0x2] =	stream.linear.gather [hbm4b:s19+s2], $0x100, $0x38;
	[tilespmem:$0x6A80] =	vst v63  }
0xe3: {  	s12 =	simm.s32 $0x2B00  }
0xe4: {  	[tilespmem:s12], [sflag:$0x2] =	stream.linear.gather [hbm4b:s20+s2], $0x100, $0x38;
	[tilespmem:$0x6A80] =	vst v63  }
0xe5: {  	s13 =	simm.s32 $0x2C00  }
0xe6: {  	[tilespmem:s13], [sflag:$0x2] =	stream.linear.gather [hbm4b:s21+s2], $0x100, $0x38;
	[tilespmem:$0x6A80] =	vst v63  }
0xe7: {  	s11 =	simm.s32 $0x2D00  }
0xe8: {  	[tilespmem:s11], [sflag:$0x2] =	stream.linear.gather [hbm4b:s22+s2], $0x100, $0x38;
	[tilespmem:$0x6A80] =	vst v63  }
0xe9: {  	s12 =	simm.s32 $0x2E00  }
0xea: {  	[tilespmem:s12], [sflag:$0x2] =	stream.linear.gather [hbm4b:s23+s2], $0x100, $0x38;
	[tilespmem:$0x6A80] =	vst v63  }
0xeb: {  	s13 =	simm.s32 $0x2F00  }
0xec: {  	[tilespmem:s13], [sflag:$0x2] =	stream.linear.gather [hbm4b:s24+s2], $0x100, $0x38;
	[tilespmem:$0x6A80] =	vst v63  }
0xed: {  	s11 =	simm.s32 $0x3000  }
0xee: {  	[tilespmem:s11], [sflag:$0x2] =	stream.linear.gather [hbm4b:s25+s2], $0x100, $0x38;
	[tilespmem:$0x6A80] =	vst v63  }
0xef: {  	s12 =	simm.s32 $0x3100  }
0xf0: {  	[tilespmem:s12], [sflag:$0x2] =	stream.linear.gather [hbm4b:s26+s2], $0x100, $0x38;
	[tilespmem:$0x6A80] =	vst v63  }
0xf1: {  	s13 =	simm.s32 $0x3200  }
0xf2: {  	[tilespmem:s13], [sflag:$0x2] =	stream.linear.gather [hbm4b:s28+s2], $0x100, $0x38;
	[tilespmem:$0x6A80] =	vst v63  }
0xf3: {  	s11 =	simm.s32 $0x3300  }
0xf4: {  	[tilespmem:s11], [sflag:$0x2] =	stream.linear.gather [hbm4b:s29+s2], $0x100, $0x38;
	[tilespmem:$0x6A80] =	vst v63  }
0xf5: {  	_ =	swait.ge [sflag:s4], $0x1A00  }
0xf6: {  	[sflag:s4] =	ssyncset.done $0x0  }
0xf7: {  	[sflag:s4] =	ssyncadd.s32 $0xFFFFE600  }
0xf8: {  	_ =	swait.ge [sflag:s5], $0x100  }
0xf9: {  	[sflag:s5] =	ssyncset.done $0x0  }
0xfa: {  	[sflag:s5] =	ssyncadd.s32 $0xFFFFFF00  }
0xfb: {  	_ =	swait.ge [sflag:s5], $0x100  }
0xfc: {  	[sflag:s5] =	ssyncset.done $0x0  }
0xfd: {  	[sflag:s5] =	ssyncadd.s32 $0xFFFFFF00  }
0xfe: {  	_ =	swait.ge [sflag:s5], $0x100  }
0xff: {  	[sflag:s5] =	ssyncset.done $0x0  }
0x100: {  	[sflag:s5] =	ssyncadd.s32 $0xFFFFFF00  }
0x101: {  	_ =	swait.ge [sflag:s5], $0x100  }
0x102: {  	[sflag:s5] =	ssyncset.done $0x0  }
0x103: {  	[sflag:s5] =	ssyncadd.s32 $0xFFFFFF00  }
0x104: {  	_ =	swait.ge [sflag:s5], $0x100  }
0x105: {  	[sflag:s5] =	ssyncset.done $0x0  }
0x106: {  	[sflag:s5] =	ssyncadd.s32 $0xFFFFFF00  }
0x107: {  	_ =	swait.ge [sflag:s5], $0x100  }
0x108: {  	[sflag:s5] =	ssyncset.done $0x0  }
0x109: {  	[sflag:s5] =	ssyncadd.s32 $0xFFFFFF00  }
0x10a: {  	_ =	swait.ge [sflag:s5], $0x100  }
0x10b: {  	[sflag:s5] =	ssyncset.done $0x0  }
0x10c: {  	[sflag:s5] =	ssyncadd.s32 $0xFFFFFF00  }
0x10d: {  	_ =	swait.ge [sflag:s5], $0x100  }
0x10e: {  	[sflag:s5] =	ssyncset.done $0x0  }
0x10f: {  	[sflag:s5] =	ssyncadd.s32 $0xFFFFFF00  }
0x110: {  	_ =	swait.ge [sflag:s5], $0x100  }
0x111: {  	[sflag:s5] =	ssyncset.done $0x0  }
0x112: {  	[sflag:s5] =	ssyncadd.s32 $0xFFFFFF00  }
0x113: {  	_ =	swait.ge [sflag:s5], $0x100  }
0x114: {  	[sflag:s5] =	ssyncset.done $0x0  }
0x115: {  	[sflag:s5] =	ssyncadd.s32 $0xFFFFFF00  }
0x116: {  	_ =	swait.ge [sflag:s5], $0x100  }
0x117: {  	[sflag:s5] =	ssyncset.done $0x0  }
0x118: {  	[sflag:s5] =	ssyncadd.s32 $0xFFFFFF00  }
0x119: {  	_ =	swait.ge [sflag:s5], $0x100  }
0x11a: {  	[sflag:s5] =	ssyncset.done $0x0  }
0x11b: {  	[sflag:s5] =	ssyncadd.s32 $0xFFFFFF00  }
0x11c: {  	_ =	swait.ge [sflag:s5], $0x100  }
0x11d: {  	[sflag:s5] =	ssyncset.done $0x0  }
0x11e: {  	[sflag:s5] =	ssyncadd.s32 $0xFFFFFF00  }
0x11f: {  	_ =	swait.ge [sflag:s5], $0x100  }
0x120: {  	[sflag:s5] =	ssyncset.done $0x0  }
0x121: {  	[sflag:s5] =	ssyncadd.s32 $0xFFFFFF00  }
0x122: {  	_ =	swait.ge [sflag:s5], $0x100  }
0x123: {  	[sflag:s5] =	ssyncset.done $0x0  }
0x124: {  	[sflag:s5] =	ssyncadd.s32 $0xFFFFFF00  }
0x125: {  	_ =	swait.ge [sflag:s5], $0x100  }
0x126: {  	[sflag:s5] =	ssyncset.done $0x0  }
0x127: {  	[sflag:s5] =	ssyncadd.s32 $0xFFFFFF00  }
0x128: {  	_ =	swait.ge [sflag:s5], $0x100  }
0x129: {  	[sflag:s5] =	ssyncset.done $0x0  }
0x12a: {  	[sflag:s5] =	ssyncadd.s32 $0xFFFFFF00  }
0x12b: {  	_ =	swait.ge [sflag:s5], $0x100  }
0x12c: {  	[sflag:s5] =	ssyncset.done $0x0  }
0x12d: {  	[sflag:s5] =	ssyncadd.s32 $0xFFFFFF00  }
0x12e: {  	_ =	swait.ge [sflag:s5], $0x100  }
0x12f: {  	[sflag:s5] =	ssyncset.done $0x0  }
0x130: {  	[sflag:s5] =	ssyncadd.s32 $0xFFFFFF00  }
0x131: {  	_ =	swait.ge [sflag:s5], $0x100  }
0x132: {  	[sflag:s5] =	ssyncset.done $0x0  }
0x133: {  	[sflag:s5] =	ssyncadd.s32 $0xFFFFFF00  }
0x134: {  	_ =	swait.ge [sflag:s5], $0x100  }
0x135: {  	[sflag:s5] =	ssyncset.done $0x0  }
0x136: {  	[sflag:s5] =	ssyncadd.s32 $0xFFFFFF00  }
0x137: {  	_ =	swait.ge [sflag:s5], $0x100  }
0x138: {  	[sflag:s5] =	ssyncset.done $0x0  }
0x139: {  	[sflag:s5] =	ssyncadd.s32 $0xFFFFFF00  }
0x13a: {  	_ =	swait.ge [sflag:s5], $0x100  }
0x13b: {  	[sflag:s5] =	ssyncset.done $0x0  }
0x13c: {  	[sflag:s5] =	ssyncadd.s32 $0xFFFFFF00  }
0x13d: {  	_ =	swait.ge [sflag:s5], $0x100  }
0x13e: {  	[sflag:s5] =	ssyncset.done $0x0  }
0x13f: {  	[sflag:s5] =	ssyncadd.s32 $0xFFFFFF00  }
0x140: {  	_ =	swait.ge [sflag:s5], $0x100  }
0x141: {  	[sflag:s5] =	ssyncset.done $0x0  }
0x142: {  	[sflag:s5] =	ssyncadd.s32 $0xFFFFFF00  }
0x143: {  	_ =	swait.ge [sflag:s5], $0x100  }
0x144: {  	[sflag:s5] =	ssyncset.done $0x0  }
0x145: {  	s12 =	simm.s32 $0x4E00;
	[sflag:s5] =	ssyncadd.s32 $0xFFFFFF00  }
0x146: {  	[tilespmem:s12], [sflag:$0x4] =	stream.indirect.gather [hbm4b:s3+s1], $0x1, s1, s1, $0xb8;
	[tilespmem:$0x6A80] =	vst v63  }
0x147: {  	v0 =	vld [tilespmem:$0x6A00]  }
0x148: {  	v1 =	vld [tilespmem:s9+$0x0]  }
0x149: {  	s13 =	sand.u32 $0xF0, s2  }
0x14a: {  	v2 =	vld [tilespmem:s13+$0x3500];
	_ =	sdelay $0x1  }
0x14b: {  	v3 =	vld [tilespmem:s13+$0x3600]  }
0x14c: {  	v1 =	vadd.f32 v1, v0  }
0x14d: {  	v4 =	vld [tilespmem:s13+$0x3700]  }
0x14e: {  	v1 =	vadd.f32 v2, v1  }
0x14f: {  	v2 =	vld [tilespmem:s13+$0x3800]  }
0x150: {  	v1 =	vadd.f32 v3, v1  }
0x151: {  	v3 =	vld [tilespmem:s13+$0x3900]  }
0x152: {  	v1 =	vadd.f32 v4, v1  }
0x153: {  	v57 =	vld [tilespmem:s13+$0x3A00]  }
0x154: {  	v1 =	vadd.f32 v2, v1  }
0x155: {  	v2 =	vld [tilespmem:s13+$0x3B00]  }
0x156: {  	v1 =	vadd.f32 v3, v1  }
0x157: {  	v3 =	vld [tilespmem:s13+$0x3C00]  }
0x158: {  	v1 =	vadd.f32 v57, v1  }
0x159: {  	v58 =	vld [tilespmem:s13+$0x3D00]  }
0x15a: {  	v1 =	vadd.f32 v2, v1  }
0x15b: {  	v2 =	vld [tilespmem:s13+$0x3E00]  }
0x15c: {  	v1 =	vadd.f32 v3, v1  }
0x15d: {  	v3 =	vld [tilespmem:s13+$0x3F00]  }
0x15e: {  	v1 =	vadd.f32 v58, v1  }
0x15f: {  	v59 =	vld [tilespmem:s13+$0x4000]  }
0x160: {  	v1 =	vadd.f32 v2, v1  }
0x161: {  	v2 =	vld [tilespmem:s13+$0x4100]  }
0x162: {  	v1 =	vadd.f32 v3, v1  }
0x163: {  	v3 =	vld [tilespmem:s13+$0x4200]  }
0x164: {  	v1 =	vadd.f32 v59, v1  }
0x165: {  	v60 =	vld [tilespmem:s13+$0x4300]  }
0x166: {  	v1 =	vadd.f32 v2, v1  }
0x167: {  	v2 =	vld [tilespmem:s13+$0x4400]  }
0x168: {  	v1 =	vadd.f32 v3, v1  }
0x169: {  	v3 =	vld [tilespmem:s13+$0x4500]  }
0x16a: {  	v1 =	vadd.f32 v60, v1  }
0x16b: {  	v61 =	vld [tilespmem:s13+$0x4600]  }
0x16c: {  	v1 =	vadd.f32 v2, v1  }
0x16d: {  	v2 =	vld [tilespmem:s13+$0x4700]  }
0x16e: {  	v1 =	vadd.f32 v3, v1  }
0x16f: {  	v3 =	vld [tilespmem:s13+$0x4800]  }
0x170: {  	v1 =	vadd.f32 v61, v1  }
0x171: {  	v62 =	vld [tilespmem:s13+$0x4900]  }
0x172: {  	v1 =	vadd.f32 v2, v1  }
0x173: {  	v2 =	vld [tilespmem:s13+$0x4A00]  }
0x174: {  	v1 =	vadd.f32 v3, v1  }
0x175: {  	v3 =	vld [tilespmem:s13+$0x4B00]  }
0x176: {  	v1 =	vadd.f32 v62, v1  }
0x177: {  	v63 =	vld [tilespmem:s13+$0x4C00]  }
0x178: {  	v1 =	vadd.f32 v2, v1  }
0x179: {  	v2 =	vld [tilespmem:s13+$0x4D00]  }
0x17a: {  	v1 =	vadd.f32 v3, v1;
	_ =	sdelay $0x1  }
0x17b: {  	v1 =	vadd.f32 v63, v1;
	_ =	sdelay $0x1  }
0x17c: {  	v1 =	vadd.f32 v2, v1;
	_ =	sdelay $0x1  }
0x17d: {  	s10 =	simm.s32 $0x3410;
	[tilespmem:s7+$0x0] =	vst v1  }
0x17e: {  	s11 =	simm.s32 $0x10;
	s12 =	simm.s32 $0x20;
	s9 =	simm.s32 $0x6800;
	v1 =	vld [tilespmem:s10+$0x0]  }
.LBB2_2:
0x17f: {  	p0 =	sne.s32 s12, $0xF0;
	s13 =	sand.u32 $0xF0, s11;
	s11 =	smov.u32 s12  }
0x180: {  	v2 =	vld [tilespmem:s13+$0x3500];
	_ =	sdelay $0x1  }
0x181: {  	v3 =	vld [tilespmem:s13+$0x3600]  }
0x182: {  	v1 =	vadd.f32 v1, v0  }
0x183: {  	v4 =	vld [tilespmem:s13+$0x3700]  }
0x184: {  	v1 =	vadd.f32 v2, v1  }
0x185: {  	v2 =	vld [tilespmem:s13+$0x3800]  }
0x186: {  	v1 =	vadd.f32 v3, v1  }
0x187: {  	v3 =	vld [tilespmem:s13+$0x3900]  }
0x188: {  	v1 =	vadd.f32 v4, v1  }
0x189: {  	v4 =	vld [tilespmem:s13+$0x3A00]  }
0x18a: {  	v1 =	vadd.f32 v2, v1  }
0x18b: {  	v2 =	vld [tilespmem:s13+$0x3B00]  }
0x18c: {  	v1 =	vadd.f32 v3, v1  }
0x18d: {  	v3 =	vld [tilespmem:s13+$0x3C00]  }
0x18e: {  	v1 =	vadd.f32 v4, v1  }
0x18f: {  	v4 =	vld [tilespmem:s13+$0x3D00]  }
0x190: {  	v1 =	vadd.f32 v2, v1  }
0x191: {  	v2 =	vld [tilespmem:s13+$0x3E00]  }
0x192: {  	v1 =	vadd.f32 v3, v1  }
0x193: {  	v3 =	vld [tilespmem:s13+$0x3F00]  }
0x194: {  	v1 =	vadd.f32 v4, v1  }
0x195: {  	v4 =	vld [tilespmem:s13+$0x4000]  }
0x196: {  	v1 =	vadd.f32 v2, v1  }
0x197: {  	v2 =	vld [tilespmem:s13+$0x4100]  }
0x198: {  	v1 =	vadd.f32 v3, v1  }
0x199: {  	v3 =	vld [tilespmem:s13+$0x4200]  }
0x19a: {  	v1 =	vadd.f32 v4, v1  }
0x19b: {  	v4 =	vld [tilespmem:s13+$0x4300]  }
0x19c: {  	v1 =	vadd.f32 v2, v1  }
0x19d: {  	v2 =	vld [tilespmem:s13+$0x4400]  }
0x19e: {  	v1 =	vadd.f32 v3, v1  }
0x19f: {  	v3 =	vld [tilespmem:s13+$0x4500]  }
0x1a0: {  	v1 =	vadd.f32 v4, v1  }
0x1a1: {  	v4 =	vld [tilespmem:s13+$0x4600]  }
0x1a2: {  	v1 =	vadd.f32 v2, v1  }
0x1a3: {  	v2 =	vld [tilespmem:s13+$0x4700]  }
0x1a4: {  	v1 =	vadd.f32 v3, v1  }
0x1a5: {  	v3 =	vld [tilespmem:s13+$0x4800]  }
0x1a6: {  	v1 =	vadd.f32 v4, v1  }
0x1a7: {  	v4 =	vld [tilespmem:s13+$0x4900]  }
0x1a8: {  	v1 =	vadd.f32 v2, v1  }
0x1a9: {  	v2 =	vld [tilespmem:s13+$0x4A00]  }
0x1aa: {  	v1 =	vadd.f32 v3, v1  }
0x1ab: {  	v3 =	vld [tilespmem:s13+$0x4B00]  }
0x1ac: {  	v1 =	vadd.f32 v4, v1  }
0x1ad: {  	v4 =	vld [tilespmem:s13+$0x4C00]  }
0x1ae: {  	v1 =	vadd.f32 v2, v1  }
0x1af: {  	v2 =	vld [tilespmem:s13+$0x4D00]  }
0x1b0: {  	v1 =	vadd.f32 v3, v1;
	_ =	sdelay $0x1  }
0x1b1: {  	v1 =	vadd.f32 v4, v1  }
.Ltmp0:
0x1b2: {  	(pc) =	sbr.rel @p0 .LBB2_2-.Ltmp0, $4  }
0x1b3: {  	v1 =	vadd.f32 v2, v1  }
0x1b4: {  	s9 =	sadd.s32 $0x10, s9  }
0x1b5: {  	s10 =	sadd.s32 $0x10, s10;
	[tilespmem:s9+$0x0] =	vst v1  }
0x1b6: {  	s12 =	sadd.s32 $0x10, s12;
	v1 =	vld [tilespmem:s10+$0x0]  }
0x1b7: {  	s10 =	sand.u32 $0xF0, s11  }
0x1b8: {  	v2 =	vld [tilespmem:s10+$0x3500];
	_ =	sdelay $0x1  }
0x1b9: {  	v3 =	vld [tilespmem:s10+$0x3600]  }
0x1ba: {  	v1 =	vadd.f32 v1, v0  }
0x1bb: {  	v4 =	vld [tilespmem:s10+$0x3700]  }
0x1bc: {  	v1 =	vadd.f32 v2, v1  }
0x1bd: {  	v2 =	vld [tilespmem:s10+$0x3800]  }
0x1be: {  	v1 =	vadd.f32 v3, v1  }
0x1bf: {  	v3 =	vld [tilespmem:s10+$0x3900]  }
0x1c0: {  	v1 =	vadd.f32 v4, v1  }
0x1c1: {  	v49 =	vld [tilespmem:s10+$0x3A00]  }
0x1c2: {  	v1 =	vadd.f32 v2, v1  }
0x1c3: {  	v2 =	vld [tilespmem:s10+$0x3B00]  }
0x1c4: {  	v1 =	vadd.f32 v3, v1  }
0x1c5: {  	v3 =	vld [tilespmem:s10+$0x3C00]  }
0x1c6: {  	v1 =	vadd.f32 v49, v1  }
0x1c7: {  	v50 =	vld [tilespmem:s10+$0x3D00]  }
0x1c8: {  	v1 =	vadd.f32 v2, v1  }
0x1c9: {  	v2 =	vld [tilespmem:s10+$0x3E00]  }
0x1ca: {  	v1 =	vadd.f32 v3, v1  }
0x1cb: {  	v3 =	vld [tilespmem:s10+$0x3F00]  }
0x1cc: {  	v1 =	vadd.f32 v50, v1  }
0x1cd: {  	v51 =	vld [tilespmem:s10+$0x4000]  }
0x1ce: {  	v1 =	vadd.f32 v2, v1  }
0x1cf: {  	v2 =	vld [tilespmem:s10+$0x4100]  }
0x1d0: {  	v1 =	vadd.f32 v3, v1  }
0x1d1: {  	v3 =	vld [tilespmem:s10+$0x4200]  }
0x1d2: {  	v1 =	vadd.f32 v51, v1  }
0x1d3: {  	v52 =	vld [tilespmem:s10+$0x4300]  }
0x1d4: {  	v1 =	vadd.f32 v2, v1  }
0x1d5: {  	v2 =	vld [tilespmem:s10+$0x4400]  }
0x1d6: {  	v1 =	vadd.f32 v3, v1  }
0x1d7: {  	v3 =	vld [tilespmem:s10+$0x4500]  }
0x1d8: {  	v1 =	vadd.f32 v52, v1  }
0x1d9: {  	v53 =	vld [tilespmem:s10+$0x4600]  }
0x1da: {  	v1 =	vadd.f32 v2, v1  }
0x1db: {  	v2 =	vld [tilespmem:s10+$0x4700]  }
0x1dc: {  	v1 =	vadd.f32 v3, v1  }
0x1dd: {  	v3 =	vld [tilespmem:s10+$0x4800]  }
0x1de: {  	v1 =	vadd.f32 v53, v1  }
0x1df: {  	v54 =	vld [tilespmem:s10+$0x4900]  }
0x1e0: {  	v1 =	vadd.f32 v2, v1  }
0x1e1: {  	v2 =	vld [tilespmem:s10+$0x4A00]  }
0x1e2: {  	v1 =	vadd.f32 v3, v1  }
0x1e3: {  	v3 =	vld [tilespmem:s10+$0x4B00]  }
0x1e4: {  	v1 =	vadd.f32 v54, v1  }
0x1e5: {  	v55 =	vld [tilespmem:s10+$0x4C00]  }
0x1e6: {  	v1 =	vadd.f32 v2, v1  }
0x1e7: {  	v2 =	vld [tilespmem:s10+$0x4D00]  }
0x1e8: {  	v1 =	vadd.f32 v3, v1;
	_ =	sdelay $0x1  }
0x1e9: {  	v1 =	vadd.f32 v55, v1;
	_ =	sdelay $0x1  }
0x1ea: {  	v1 =	vadd.f32 v2, v1  }
0x1eb: {  	s9 =	sadd.s32 $0x10, s9  }
0x1ec: {  	[tilespmem:s9+$0x0] =	vst v1  }
0x1ed: {  	_ =	swait.ge [sflag:s6], $0x1A00  }
0x1ee: {  	[sflag:s6] =	ssyncset.done $0x0  }
0x1ef: {  	s11 =	simm.s32 $0x4F00;
	[sflag:s6] =	ssyncadd.s32 $0xFFFFE600  }
0x1f0: {  	v1 =	vld [tilespmem:s11+$0xFFFFFF00];
	_ =	sdelay $0x1  }
0x1f1: {  	s12 =	simm.s32 $0x0;
	v2 =	vld [tilespmem:s11+$0x0]  }
0x1f2: {  	s13 =	sand.u32 $0xF0, s12  }
0x1f3: {  	v3 =	vld [tilespmem:s13+$0x5000]  }
0x1f4: {  	v1 =	vadd.f32 v1, v0  }
0x1f5: {  	v56 =	vld [tilespmem:s13+$0x5100]  }
0x1f6: {  	v1 =	vadd.f32 v2, v1  }
0x1f7: {  	v2 =	vld [tilespmem:s13+$0x5200]  }
0x1f8: {  	v1 =	vadd.f32 v3, v1  }
0x1f9: {  	v3 =	vld [tilespmem:s13+$0x5300]  }
0x1fa: {  	v1 =	vadd.f32 v56, v1  }
0x1fb: {  	v57 =	vld [tilespmem:s13+$0x5400]  }
0x1fc: {  	v1 =	vadd.f32 v2, v1  }
0x1fd: {  	v2 =	vld [tilespmem:s13+$0x5500]  }
0x1fe: {  	v1 =	vadd.f32 v3, v1  }
0x1ff: {  	v3 =	vld [tilespmem:s13+$0x5600]  }
0x200: {  	v1 =	vadd.f32 v57, v1  }
0x201: {  	v58 =	vld [tilespmem:s13+$0x5700]  }
0x202: {  	v1 =	vadd.f32 v2, v1  }
0x203: {  	v2 =	vld [tilespmem:s13+$0x5800]  }
0x204: {  	v1 =	vadd.f32 v3, v1  }
0x205: {  	v3 =	vld [tilespmem:s13+$0x5900]  }
0x206: {  	v1 =	vadd.f32 v58, v1  }
0x207: {  	v59 =	vld [tilespmem:s13+$0x5A00]  }
0x208: {  	v1 =	vadd.f32 v2, v1  }
0x209: {  	v2 =	vld [tilespmem:s13+$0x5B00]  }
0x20a: {  	v1 =	vadd.f32 v3, v1  }
0x20b: {  	v3 =	vld [tilespmem:s13+$0x5C00]  }
0x20c: {  	v1 =	vadd.f32 v59, v1  }
0x20d: {  	v60 =	vld [tilespmem:s13+$0x5D00]  }
0x20e: {  	v1 =	vadd.f32 v2, v1  }
0x20f: {  	v2 =	vld [tilespmem:s13+$0x5E00]  }
0x210: {  	v1 =	vadd.f32 v3, v1  }
0x211: {  	v3 =	vld [tilespmem:s13+$0x5F00]  }
0x212: {  	v1 =	vadd.f32 v60, v1  }
0x213: {  	v61 =	vld [tilespmem:s13+$0x6000]  }
0x214: {  	v1 =	vadd.f32 v2, v1  }
0x215: {  	v2 =	vld [tilespmem:s13+$0x6100]  }
0x216: {  	v1 =	vadd.f32 v3, v1  }
0x217: {  	v3 =	vld [tilespmem:s13+$0x6200]  }
0x218: {  	v1 =	vadd.f32 v61, v1  }
0x219: {  	v62 =	vld [tilespmem:s13+$0x6300]  }
0x21a: {  	v1 =	vadd.f32 v2, v1  }
0x21b: {  	v2 =	vld [tilespmem:s13+$0x6400]  }
0x21c: {  	v1 =	vadd.f32 v3, v1  }
0x21d: {  	v3 =	vld [tilespmem:s13+$0x6500]  }
0x21e: {  	v1 =	vadd.f32 v62, v1  }
0x21f: {  	v63 =	vld [tilespmem:s13+$0x6600]  }
0x220: {  	v1 =	vadd.f32 v2, v1  }
0x221: {  	v2 =	vld [tilespmem:s13+$0x6700]  }
0x222: {  	v1 =	vadd.f32 v3, v1;
	_ =	sdelay $0x1  }
0x223: {  	v1 =	vadd.f32 v63, v1;
	_ =	sdelay $0x1  }
0x224: {  	v1 =	vadd.f32 v2, v1  }
0x225: {  	s9 =	simm.s32 $0x6900  }
0x226: {  	s10 =	simm.s32 $0x4F10;
	[tilespmem:s9+$0x0] =	vst v1  }
0x227: {  	s12 =	simm.s32 $0x20;
	s11 =	simm.s32 $0x10;
	v1 =	vld [tilespmem:s10+$0xFFFFFF00]  }
.LBB2_4:
0x228: {  	p0 =	sne.s32 s12, $0xF0  }
0x229: {  	v2 =	vld [tilespmem:s10+$0x0]  }
0x22a: {  	s13 =	sand.u32 $0xF0, s11;
	s11 =	smov.u32 s12  }
0x22b: {  	v3 =	vld [tilespmem:s13+$0x5000]  }
0x22c: {  	v1 =	vadd.f32 v1, v0  }
0x22d: {  	v4 =	vld [tilespmem:s13+$0x5100]  }
0x22e: {  	v1 =	vadd.f32 v2, v1  }
0x22f: {  	v2 =	vld [tilespmem:s13+$0x5200]  }
0x230: {  	v1 =	vadd.f32 v3, v1  }
0x231: {  	v3 =	vld [tilespmem:s13+$0x5300]  }
0x232: {  	v1 =	vadd.f32 v4, v1  }
0x233: {  	v4 =	vld [tilespmem:s13+$0x5400]  }
0x234: {  	v1 =	vadd.f32 v2, v1  }
0x235: {  	v2 =	vld [tilespmem:s13+$0x5500]  }
0x236: {  	v1 =	vadd.f32 v3, v1  }
0x237: {  	v3 =	vld [tilespmem:s13+$0x5600]  }
0x238: {  	v1 =	vadd.f32 v4, v1  }
0x239: {  	v4 =	vld [tilespmem:s13+$0x5700]  }
0x23a: {  	v1 =	vadd.f32 v2, v1  }
0x23b: {  	v2 =	vld [tilespmem:s13+$0x5800]  }
0x23c: {  	v1 =	vadd.f32 v3, v1  }
0x23d: {  	v3 =	vld [tilespmem:s13+$0x5900]  }
0x23e: {  	v1 =	vadd.f32 v4, v1  }
0x23f: {  	v4 =	vld [tilespmem:s13+$0x5A00]  }
0x240: {  	v1 =	vadd.f32 v2, v1  }
0x241: {  	v2 =	vld [tilespmem:s13+$0x5B00]  }
0x242: {  	v1 =	vadd.f32 v3, v1  }
0x243: {  	v3 =	vld [tilespmem:s13+$0x5C00]  }
0x244: {  	v1 =	vadd.f32 v4, v1  }
0x245: {  	v4 =	vld [tilespmem:s13+$0x5D00]  }
0x246: {  	v1 =	vadd.f32 v2, v1  }
0x247: {  	v2 =	vld [tilespmem:s13+$0x5E00]  }
0x248: {  	v1 =	vadd.f32 v3, v1  }
0x249: {  	v3 =	vld [tilespmem:s13+$0x5F00]  }
0x24a: {  	v1 =	vadd.f32 v4, v1  }
0x24b: {  	v4 =	vld [tilespmem:s13+$0x6000]  }
0x24c: {  	v1 =	vadd.f32 v2, v1  }
0x24d: {  	v2 =	vld [tilespmem:s13+$0x6100]  }
0x24e: {  	v1 =	vadd.f32 v3, v1  }
0x24f: {  	v3 =	vld [tilespmem:s13+$0x6200]  }
0x250: {  	v1 =	vadd.f32 v4, v1  }
0x251: {  	v4 =	vld [tilespmem:s13+$0x6300]  }
0x252: {  	v1 =	vadd.f32 v2, v1  }
0x253: {  	v2 =	vld [tilespmem:s13+$0x6400]  }
0x254: {  	v1 =	vadd.f32 v3, v1  }
0x255: {  	v3 =	vld [tilespmem:s13+$0x6500]  }
0x256: {  	v1 =	vadd.f32 v4, v1  }
0x257: {  	v4 =	vld [tilespmem:s13+$0x6600]  }
0x258: {  	v1 =	vadd.f32 v2, v1  }
0x259: {  	v2 =	vld [tilespmem:s13+$0x6700]  }
0x25a: {  	v1 =	vadd.f32 v3, v1;
	_ =	sdelay $0x1  }
0x25b: {  	v1 =	vadd.f32 v4, v1  }
.Ltmp1:
0x25c: {  	(pc) =	sbr.rel @p0 .LBB2_4-.Ltmp1, $4  }
0x25d: {  	v1 =	vadd.f32 v2, v1  }
0x25e: {  	s9 =	sadd.s32 $0x10, s9  }
0x25f: {  	s10 =	sadd.s32 $0x10, s10;
	[tilespmem:s9+$0x0] =	vst v1  }
0x260: {  	s12 =	sadd.s32 $0x10, s12;
	v1 =	vld [tilespmem:s10+$0xFFFFFF00]  }
0x261: {  	_ = 	snop  }
0x262: {  	v2 =	vld [tilespmem:s10+$0x0]  }
0x263: {  	s12 =	sand.u32 $0xF0, s11  }
0x264: {  	v3 =	vld [tilespmem:s12+$0x5000]  }
0x265: {  	v0 =	vadd.f32 v1, v0  }
0x266: {  	v41 =	vld [tilespmem:s12+$0x5100]  }
0x267: {  	v0 =	vadd.f32 v2, v0  }
0x268: {  	v42 =	vld [tilespmem:s12+$0x5200]  }
0x269: {  	v0 =	vadd.f32 v3, v0  }
0x26a: {  	v43 =	vld [tilespmem:s12+$0x5300]  }
0x26b: {  	v0 =	vadd.f32 v41, v0  }
0x26c: {  	v44 =	vld [tilespmem:s12+$0x5400]  }
0x26d: {  	v0 =	vadd.f32 v42, v0  }
0x26e: {  	v45 =	vld [tilespmem:s12+$0x5500]  }
0x26f: {  	v0 =	vadd.f32 v43, v0  }
0x270: {  	v46 =	vld [tilespmem:s12+$0x5600]  }
0x271: {  	v0 =	vadd.f32 v44, v0  }
0x272: {  	v47 =	vld [tilespmem:s12+$0x5700]  }
0x273: {  	v0 =	vadd.f32 v45, v0  }
0x274: {  	v48 =	vld [tilespmem:s12+$0x5800]  }
0x275: {  	v0 =	vadd.f32 v46, v0  }
0x276: {  	v49 =	vld [tilespmem:s12+$0x5900]  }
0x277: {  	v0 =	vadd.f32 v47, v0  }
0x278: {  	v50 =	vld [tilespmem:s12+$0x5A00]  }
0x279: {  	v0 =	vadd.f32 v48, v0  }
0x27a: {  	v51 =	vld [tilespmem:s12+$0x5B00]  }
0x27b: {  	v0 =	vadd.f32 v49, v0  }
0x27c: {  	v52 =	vld [tilespmem:s12+$0x5C00]  }
0x27d: {  	v0 =	vadd.f32 v50, v0  }
0x27e: {  	v53 =	vld [tilespmem:s12+$0x5D00]  }
0x27f: {  	v0 =	vadd.f32 v51, v0  }
0x280: {  	v54 =	vld [tilespmem:s12+$0x5E00]  }
0x281: {  	v0 =	vadd.f32 v52, v0  }
0x282: {  	v55 =	vld [tilespmem:s12+$0x5F00]  }
0x283: {  	v0 =	vadd.f32 v53, v0  }
0x284: {  	v56 =	vld [tilespmem:s12+$0x6000]  }
0x285: {  	v0 =	vadd.f32 v54, v0  }
0x286: {  	v57 =	vld [tilespmem:s12+$0x6100]  }
0x287: {  	v0 =	vadd.f32 v55, v0  }
0x288: {  	v58 =	vld [tilespmem:s12+$0x6200]  }
0x289: {  	v0 =	vadd.f32 v56, v0  }
0x28a: {  	v59 =	vld [tilespmem:s12+$0x6300]  }
0x28b: {  	v0 =	vadd.f32 v57, v0  }
0x28c: {  	v60 =	vld [tilespmem:s12+$0x6400]  }
0x28d: {  	v0 =	vadd.f32 v58, v0  }
0x28e: {  	v61 =	vld [tilespmem:s12+$0x6500]  }
0x28f: {  	v0 =	vadd.f32 v59, v0  }
0x290: {  	v62 =	vld [tilespmem:s12+$0x6600]  }
0x291: {  	v0 =	vadd.f32 v60, v0  }
0x292: {  	v63 =	vld [tilespmem:s12+$0x6700]  }
0x293: {  	v0 =	vadd.f32 v61, v0;
	_ =	sdelay $0x1  }
0x294: {  	v0 =	vadd.f32 v62, v0;
	_ =	sdelay $0x1  }
0x295: {  	s8 =	sadd.s32 $0x1, s8;
	v0 =	vadd.f32 v63, v0  }
0x296: {  	s9 =	sadd.s32 $0x10, s9;
	p0 =	sne.s32 s8, s30  }
.Ltmp2:
0x297: {  	s13 =	rddreg [dreg:$0x15];
	[tilespmem:s9+$0x0] =	vst v0;
	(pc) =	sbr.rel @p0 .LBB2_1-.Ltmp2, $4  }
0x298: {  	[hbm4b:s13+s2] =	stream.linear.scatter [tilespmem:s7], [sflag:$0x5], $0x200, $0x38;
	[tilespmem:$0x6A80] =	vst v63  }
0x299: {  	_ =	swait.ge [sflag:s31], $0x200  }
0x29a: {  	[sflag:s31] =	ssyncset.done $0x0  }
0x29b: {  	[sflag:s31] =	ssyncadd.s32 $0xFFFFFE00  }
0x29c: {  	_ =	sfence.sel $0x180000  }
0x29d: {  	[bflag:$0x0] =	sbarrier.arrive $0xFFFF  }
0x29e: {  	_ =	strace $0x90000047  }
0x29f: {  	s0 =	stileid.u32;
	[bflag:$0x2] =	sbarrier.arrive $0xFFFF  }
0x2a0: {  	p0 =	sne.s32 s0, $0x0;
	s0 =	rddreg [dreg:$0x2]  }
0x2a1: {  	s0 =	sadd.s32 @!p0 $0x100000, s0  }
0x2a2: {  	[sflag:s0] =	ssyncadd.tile.s32 @!p0 $0x1;
	_ =	shalt  }
.Lfunc_end2:
_tile_overlayer_lowered:
.L_overlay_start_2:
0x2a3: {  	(tag) =	ssettag $0x2  }
0x2a4: {  	s0 =	rddreg [dreg:$0x0];
	s2 =	stileid.u32  }
0x2a5: {  	s1 =	rddreg [dreg:$0x1];
	p0 =	sne.s32 s2, $0x0  }
0x2a6: {  	s3 =	rddreg [dreg:$0x2];
	[bflag:$0x3] =	sbarrier.arrive $0xFFFF;
	s2 =	simm.s32 @!p0 $0x1C05  }
0x2a7: {  	[timem:s3], [sflag:s2] =	dma.local @!p0 [hbm:s0], s1  }
0x2a8: {  	s0 =	simm.s32 @!p0 $0x5  }
0x2a9: {  	_ =	swait.ge @!p0 [sflag:s0], s1  }
0x2aa: {  	s1 =	ssub.s32 @!p0 $0x0, s1;
	[sflag:s0] =	ssyncset.done @!p0 $0x0  }
0x2ab: {  	[sflag:s0] =	ssyncadd.s32 @!p0 s1  }
0x2ac: {  	[bflag:$0x3] =	sbarrier.arrive $0xFFFF  }
0x2ad: {  	_ =	shalt  }

</sc_bundles>
